<compile_context>
chip_gen: v7x
topology: tpu7x:2x2x1
jax: 0.10.2.dev20260603
libtpu: 0.0.44.dev20260713+nightly
codegen_flags: <defaults>
</compile_context>

<pallas_src>
import functools

import jax
import jax.numpy as jnp
from jax import lax
from jax.experimental import pallas as pl
from jax.experimental.pallas import tpu as pltpu
from jax.experimental.pallas import tpu_sc as plsc

N = 10000
E = 320000
NP = 10240
EP = 327680
EW = EP // 32
KCH = EW // 128
ER = EP // 128
H = 32
G = 48
DH = 64
NEG = -1e30

_mesh = plsc.VectorSubcoreMesh(
    core_axis_name="c", subcore_axis_name="s", num_cores=2, num_subcores=16)


def _wid():
    return lax.axis_index("c") * 16 + lax.axis_index("s")



@functools.partial(
    pl.kernel,
    out_type=jax.ShapeDtypeStruct((32, NP), jnp.float32),
    mesh=_mesh,
    compiler_params=pltpu.CompilerParams(needs_layout_passes=False, use_tc_tiling_on_sc=False),
    scratch_types=[
        pltpu.VMEM((NP,), jnp.float32),
        pltpu.VMEM((KCH, 128), jnp.int32),
    ],
)
def _sc_deg(dst2d, out_hbm, hist_v, idx_v):
    w = _wid()

    def zero(i, _):
        hist_v[pl.ds(i * 16, 16)] = jnp.zeros((16,), jnp.float32)
        return 0
    lax.fori_loop(0, NP // 16, zero, 0)

    pltpu.sync_copy(dst2d.at[pl.ds(w * KCH, KCH)], idx_v)
    ones16 = jnp.ones((16,), jnp.float32)

    def body(j, _):
        for k in range(8):
            iv = idx_v[j, pl.ds(k * 16, 16)]
            plsc.addupdate_scatter(hist_v, [iv], ones16)
        return 0
    lax.fori_loop(0, KCH, body, 0)
    pltpu.sync_copy(hist_v, out_hbm.at[w])



@functools.partial(
    pl.kernel,
    out_type=jax.ShapeDtypeStruct((2, NP, H), jnp.float32),
    mesh=_mesh,
    compiler_params=pltpu.CompilerParams(needs_layout_passes=False, use_tc_tiling_on_sc=False),
    scratch_types=[
        pltpu.VMEM((KCH, 128), jnp.int32),
        pltpu.VMEM((KCH, 128), jnp.int32),
        pltpu.VMEM((128, H), jnp.float32),
        pltpu.VMEM((128, H), jnp.float32),
        pltpu.VMEM((128, H), jnp.float32),
        pltpu.VMEM((128, H), jnp.float32),
        pltpu.VMEM((NP // 16, H), jnp.float32),
        pltpu.VMEM_SHARED((NP, H), jnp.float32),
        pltpu.SemaphoreType.DMA,
        pltpu.SemaphoreType.DMA,
        pltpu.SemaphoreType.DMA,
        pltpu.SemaphoreType.DMA,
    ],
)
def _sc_conv(src2d, dst2d, table, acc_out, sidx_v, didx_v, rowbuf, rowbuf2,
             rowbuf3, rowbuf4, zbuf, shared_acc, sem, sem2, sem3, sem4):
    c = lax.axis_index("c")
    s = lax.axis_index("s")
    w = c * 16 + s
    stripe = NP // 16

    def zero(i, _):
        zbuf[i, pl.ds(0, 16)] = jnp.zeros((16,), jnp.float32)
        zbuf[i, pl.ds(16, 16)] = jnp.zeros((16,), jnp.float32)
        return 0
    lax.fori_loop(0, stripe, zero, 0)
    pltpu.sync_copy(zbuf, shared_acc.at[pl.ds(s * stripe, stripe)])
    plsc.subcore_barrier()

    pltpu.sync_copy(src2d.at[pl.ds(w * KCH, KCH)], sidx_v)
    pltpu.sync_copy(dst2d.at[pl.ds(w * KCH, KCH)], didx_v)

    def body(i, _):
        j0 = 4 * i
        copies = [
            pltpu.async_copy(table.at[sidx_v.at[j0 + k]], buf, s)
            for k, (buf, s) in enumerate(
                [(rowbuf, sem), (rowbuf2, sem2), (rowbuf3, sem3),
                 (rowbuf4, sem4)])
        ]
        for k, (buf, d) in enumerate(
                zip([rowbuf, rowbuf2, rowbuf3, rowbuf4], copies)):
            d.wait()
            pltpu.sync_copy(buf, shared_acc.at[didx_v.at[j0 + k]], add=True)
        return 0
    lax.fori_loop(0, KCH // 4, body, 0)

    plsc.subcore_barrier()
    pltpu.sync_copy(shared_acc.at[pl.ds(s * stripe, stripe)],
                    acc_out.at[c, pl.ds(s * stripe, stripe)])



@functools.partial(
    pl.kernel,
    out_type=[jax.ShapeDtypeStruct((EP, G), jnp.float32),
              jax.ShapeDtypeStruct((EP, G), jnp.float32)],
    mesh=_mesh,
    compiler_params=pltpu.CompilerParams(needs_layout_passes=False, use_tc_tiling_on_sc=False),
    scratch_types=[
        pltpu.VMEM((KCH, 128), jnp.int32),
        pltpu.VMEM((KCH, 128), jnp.int32),
        pltpu.VMEM((128, G), jnp.float32),
        pltpu.VMEM((128, G), jnp.float32),
        pltpu.SemaphoreType.DMA,
        pltpu.SemaphoreType.DMA,
    ],
)
def _sc_edge_gather(src2d, dst2d, table48, ga_out, gb_out,
                    sidx_v, didx_v, bufa, bufb, sema, semb):
    w = _wid()
    pltpu.sync_copy(src2d.at[pl.ds(w * KCH, KCH)], sidx_v)
    pltpu.sync_copy(dst2d.at[pl.ds(w * KCH, KCH)], didx_v)

    def body(j, _):
        da = pltpu.async_copy(table48.at[sidx_v.at[j]], bufa, sema)
        db = pltpu.async_copy(table48.at[didx_v.at[j]], bufb, semb)
        da.wait()
        db.wait()
        base = w * EW + j * 128
        pltpu.sync_copy(bufa, ga_out.at[pl.ds(base, 128)])
        pltpu.sync_copy(bufb, gb_out.at[pl.ds(base, 128)])
        return 0
    lax.fori_loop(0, KCH, body, 0)



NB = 2048
NGRID = NP // NB


def _bdot(a, b):
    return jnp.dot(a.astype(jnp.bfloat16), b.astype(jnp.bfloat16),
                   preferred_element_type=jnp.float32)


def _tc_a(x_ref, w1_ref, deg_ref, xw_ref, xwp_ref, dinv_ref):
    xw = _bdot(x_ref[...], w1_ref[...])
    ones = jnp.ones((32, 1), jnp.float32)
    degc = lax.dot_general(deg_ref[...], ones, (((0,), (0,)), ((), ())),
                           preferred_element_type=jnp.float32,
                           precision=lax.Precision.HIGHEST)
    d = degc + 1.0
    y = lax.rsqrt(d)
    y = y * (1.5 - 0.5 * d * y * y)
    dinv = y * (1.5 - 0.5 * d * y * y)
    xw_ref[...] = xw
    xwp_ref[...] = xw * dinv
    dinv_ref[...] = dinv


def _tc_b(acc_ref, xw_ref, dinv_ref, w2_ref, b1_ref,
          x1_ref, xw2_ref, xw2p_ref):
    dinv = dinv_ref[...]
    a = acc_ref[0] + acc_ref[1]
    x1 = jnp.maximum(dinv * a + dinv * dinv * xw_ref[...] + b1_ref[...], 0.0)
    xw2 = _bdot(x1, w2_ref[...])
    x1_ref[...] = x1
    xw2_ref[...] = xw2
    xw2p_ref[...] = xw2 * dinv


def _tc_c(acc_ref, xw2_ref, dinv_ref, x1_ref, b2_ref, wd1c_ref, bd1_ref,
          nid_ref, oe_ref, cvec_ref):
    i = pl.program_id(0)
    dinv = dinv_ref[...]
    a = acc_ref[0] + acc_ref[1]
    x2 = jnp.maximum(dinv * a + dinv * dinv * xw2_ref[...] + b2_ref[...], 0.0)
    oe = jnp.concatenate(
        [x1_ref[:, :20], x2[:, :20], jnp.zeros((NB, 8), jnp.float32)], axis=1)
    oe_ref[...] = oe
    rid = lax.broadcasted_iota(jnp.int32, (NB, 1), 0) + i * NB
    sel = (rid == nid_ref[0]).astype(jnp.float32)
    noderow = lax.dot_general(sel, oe, (((0,), (0,)), ((), ())),
                              preferred_element_type=jnp.float32,
                              precision=lax.Precision.HIGHEST)
    contrib = _bdot(noderow, wd1c_ref[...])

    @pl.when(i == 0)
    def _():
        cvec_ref[...] = contrib + bd1_ref[...]

    @pl.when(i > 0)
    def _():
        cvec_ref[...] = cvec_ref[...] + contrib


def _tc_d(ga_ref, gb_ref, wa_ref, wb_ref, cvec_ref, wd2_ref, bd2_ref, out_ref):
    h = (_bdot(ga_ref[...], wa_ref[...])
         + _bdot(gb_ref[...], wb_ref[...])
         + cvec_ref[...])
    h = jnp.maximum(h, 0.0).astype(jnp.bfloat16).astype(jnp.float32)
    wd2 = wd2_ref[...].astype(jnp.bfloat16).astype(jnp.float32)
    out_ref[...] = (jnp.sum(h * wd2, axis=1, keepdims=True)
                    + bd2_ref[...])


def _tc_sparsemax(z_ref, out_ref):
    rid = lax.broadcasted_iota(jnp.int32, (ER, 128), 0)
    z = jnp.where(rid < E // 128, z_ref[...], NEG)
    zmax = jnp.max(z)

    def bis(_, lohi):
        lo, hi = lohi
        mid = 0.5 * (lo + hi)
        s = jnp.sum(jnp.where(z > mid, z - mid, 0.0))
        gt = s > 1.0
        return jnp.where(gt, mid, lo), jnp.where(gt, hi, mid)
    lo, _ = lax.fori_loop(0, 28, bis, (zmax - 1.0, zmax))

    def mic(_, t):
        cnt = jnp.maximum(jnp.sum(jnp.where(z > t, 1.0, 0.0)), 1.0)
        s = jnp.sum(jnp.where(z > t, z, 0.0))
        num = s - 1.0
        t1 = num / cnt
        return t1 + (num - t1 * cnt) / cnt
    tau = lax.fori_loop(0, 6, mic, lo)
    out_ref[...] = jnp.maximum(z - tau, 0.0)




def kernel(x, edge_index, node_id, W1, b1, W2, b2, Wd1, bd1, Wd2, bd2):
    f32 = jnp.float32
    x = x.astype(f32)

    src = edge_index[0].astype(jnp.int32)
    dst = edge_index[1].astype(jnp.int32)
    padn = EP - E
    pad_idx = (N + (jnp.arange(padn, dtype=jnp.int32) % 16))
    src2d = jnp.concatenate([src, pad_idx]).reshape(ER, 128)
    dst2d = jnp.concatenate([dst, pad_idx]).reshape(ER, 128)

    xpad = jnp.pad(x, ((0, NP - N), (0, 0)))
    w1p = jnp.pad(W1.astype(f32), ((0, 0), (0, H - W1.shape[1])))
    w2p = jnp.pad(W2.astype(f32), ((0, H - W2.shape[0]), (0, H - W2.shape[1])))
    b1p = jnp.pad(b1.astype(f32), (0, H - b1.shape[0])).reshape(1, H)
    b2p = jnp.pad(b2.astype(f32), (0, H - b2.shape[0])).reshape(1, H)
    wd1a = jnp.pad(Wd1[0:40].astype(f32), ((0, G - 40), (0, 0)))
    wd1b = jnp.pad(Wd1[40:80].astype(f32), ((0, G - 40), (0, 0)))
    wd1c = jnp.pad(Wd1[80:120].astype(f32), ((0, G - 40), (0, 0)))
    bd1r = bd1.astype(f32).reshape(1, DH)
    wd2r = Wd2.astype(f32).reshape(1, DH)
    bd2r = bd2.astype(f32).reshape(1, 1)
    nid = jnp.asarray(node_id, jnp.int32).reshape(1)

    deg32 = _sc_deg(dst2d)
    nspec = pl.BlockSpec((NB, H), lambda i: (i, 0))
    cspec = pl.BlockSpec((NB, 1), lambda i: (i, 0))
    xw1, xw1p, dinv = pl.pallas_call(
        _tc_a,
        grid=(NGRID,),
        in_specs=[
            pl.BlockSpec((NB, 128), lambda i: (i, 0)),
            pl.BlockSpec((128, H), lambda i: (0, 0)),
            pl.BlockSpec((32, NB), lambda i: (0, i)),
        ],
        out_specs=(nspec, nspec, cspec),
        out_shape=(jax.ShapeDtypeStruct((NP, H), f32),
                   jax.ShapeDtypeStruct((NP, H), f32),
                   jax.ShapeDtypeStruct((NP, 1), f32)),
    )(xpad, w1p, deg32)

    acc1 = _sc_conv(src2d, dst2d, xw1p)
    aspec = pl.BlockSpec((2, NB, H), lambda i: (0, i, 0))
    x1, xw2, xw2p = pl.pallas_call(
        _tc_b,
        grid=(NGRID,),
        in_specs=[
            aspec, nspec, cspec,
            pl.BlockSpec((H, H), lambda i: (0, 0)),
            pl.BlockSpec((1, H), lambda i: (0, 0)),
        ],
        out_specs=(nspec, nspec, nspec),
        out_shape=(jax.ShapeDtypeStruct((NP, H), f32),
                   jax.ShapeDtypeStruct((NP, H), f32),
                   jax.ShapeDtypeStruct((NP, H), f32)),
    )(acc1, xw1, dinv, w2p, b1p)

    acc2 = _sc_conv(src2d, dst2d, xw2p)
    oe48, cvec = pl.pallas_call(
        _tc_c,
        grid=(NGRID,),
        in_specs=[
            aspec, nspec, cspec, nspec,
            pl.BlockSpec((1, H), lambda i: (0, 0)),
            pl.BlockSpec((G, DH), lambda i: (0, 0)),
            pl.BlockSpec((1, DH), lambda i: (0, 0)),
            pl.BlockSpec(memory_space=pltpu.SMEM),
        ],
        out_specs=(pl.BlockSpec((NB, G), lambda i: (i, 0)),
                   pl.BlockSpec((1, DH), lambda i: (0, 0))),
        out_shape=(jax.ShapeDtypeStruct((NP, G), f32),
                   jax.ShapeDtypeStruct((1, DH), f32)),
    )(acc2, xw2, dinv, x1, b2p, wd1c, bd1r, nid)

    ga, gb = _sc_edge_gather(src2d, dst2d, oe48)

    eb = EP // 64
    zraw = pl.pallas_call(
        _tc_d,
        grid=(64,),
        in_specs=[
            pl.BlockSpec((eb, G), lambda i: (i, 0)),
            pl.BlockSpec((eb, G), lambda i: (i, 0)),
            pl.BlockSpec((G, DH), lambda i: (0, 0)),
            pl.BlockSpec((G, DH), lambda i: (0, 0)),
            pl.BlockSpec((1, DH), lambda i: (0, 0)),
            pl.BlockSpec((1, DH), lambda i: (0, 0)),
            pl.BlockSpec((1, 1), lambda i: (0, 0)),
        ],
        out_specs=pl.BlockSpec((eb, 1), lambda i: (i, 0)),
        out_shape=jax.ShapeDtypeStruct((EP, 1), f32),
    )(ga, gb, wd1a, wd1b, cvec, wd2r, bd2r)

    z2d = zraw.reshape(ER, 128)
    sm = pl.pallas_call(
        _tc_sparsemax,
        out_shape=jax.ShapeDtypeStruct((ER, 128), f32),
    )(z2d)
    return sm.reshape(EP, 1)[:E]

# --- scband reference (transcript-rebuilt; emitter-appended) ---
"""Pipeline reference for scband-gcnexpl-module-11089605558294 (READ-ONLY COPY).

The authoritative reference and input builder live on the scoring server;
editing this copy changes nothing except your own understanding.
"""

import jax, jax.numpy as jnp
import numpy as np

N = 10000
E = 320000
IN_FEATS = 128
ENC_H = 20
DEC_H = 64
LATENT = ENC_H * 3  # 60
DEC_IN = LATENT * 2  # 120


def setup_inputs(seed: int = 0) -> dict:
    key = jax.random.key(seed)
    ks = jax.random.split(key, 12)
    x = jax.random.normal(ks[0], (N, IN_FEATS), dtype=jnp.float32)
    edge_index = jax.random.randint(ks[1], (2, E), 0, N, dtype=jnp.int32)
    node_id = 1234
    W1 = jax.random.normal(ks[2], (IN_FEATS, ENC_H), dtype=jnp.float32) * (1.0 / np.sqrt(IN_FEATS))
    b1 = jnp.zeros((ENC_H,), dtype=jnp.float32)
    W2 = jax.random.normal(ks[3], (ENC_H, ENC_H), dtype=jnp.float32) * (1.0 / np.sqrt(ENC_H))
    b2 = jnp.zeros((ENC_H,), dtype=jnp.float32)
    Wd1 = jax.random.normal(ks[4], (DEC_IN, DEC_H), dtype=jnp.float32) * (1.0 / np.sqrt(DEC_IN))
    bd1 = jnp.zeros((DEC_H,), dtype=jnp.float32)
    Wd2 = jax.random.normal(ks[5], (DEC_H, 1), dtype=jnp.float32) * (1.0 / np.sqrt(DEC_H))
    bd2 = jnp.zeros((1,), dtype=jnp.float32)
    return {"x": x, "edge_index": edge_index, "node_id": node_id,
            "W1": W1, "b1": b1, "W2": W2, "b2": b2,
            "Wd1": Wd1, "bd1": bd1, "Wd2": Wd2, "bd2": bd2}


def gcn_conv(x, edge_index, W, b):
    # PyG GCNConv with add_self_loops=True and symmetric normalization
    src = edge_index[0]
    dst = edge_index[1]
    loop = jnp.arange(N, dtype=edge_index.dtype)
    src_a = jnp.concatenate([src, loop])
    dst_a = jnp.concatenate([dst, loop])
    deg = jnp.zeros((N,), dtype=x.dtype).at[dst_a].add(1.0)
    dinv = jnp.where(deg > 0, jax.lax.rsqrt(jnp.maximum(deg, 1e-12)), 0.0)
    norm = dinv[src_a] * dinv[dst_a]
    xw = x @ W
    msgs = xw[src_a] * norm[:, None]
    out = jnp.zeros((N, W.shape[1]), dtype=x.dtype).at[dst_a].add(msgs)
    return out + b


def sparsemax_dim0(z):
    # sparsemax along axis 0 (Martins & Astudillo 2016)
    E_ = z.shape[0]
    zs = -jnp.sort(-z, axis=0)  # descending
    k = jnp.arange(1, E_ + 1, dtype=z.dtype)[:, None]
    zcum = jnp.cumsum(zs, axis=0) - 1.0
    support = (k * zs) > zcum
    k_sup = jnp.sum(support.astype(z.dtype), axis=0, keepdims=True)
    idx = jnp.maximum(k_sup.astype(jnp.int32) - 1, 0)
    tau = jnp.take_along_axis(zcum, idx, axis=0) / jnp.maximum(k_sup, 1.0)
    return jnp.maximum(z - tau, 0.0)


def reference(x, edge_index, node_id, W1, b1, W2, b2, Wd1, bd1, Wd2, bd2):
    # encoder (dropout p=0.0 -> identity)
    x1 = jax.nn.relu(gcn_conv(x, edge_index, W1, b1))
    x2 = jax.nn.relu(gcn_conv(x1, edge_index, W2, b2))
    out_enc = jnp.concatenate([x1, x2], axis=1)  # [N, 2*ENC_H]
    # edge representation: gather row/col embeds + broadcast node_id embed
    rows = edge_index[0]
    cols = edge_index[1]
    row_embeds = jnp.take(out_enc, rows, axis=0)
    col_embeds = jnp.take(out_enc, cols, axis=0)
    node_embed = jnp.broadcast_to(out_enc[node_id][None, :], (rows.shape[0], out_enc.shape[1]))
    z = jnp.concatenate([row_embeds, col_embeds, node_embed], axis=1)  # [E, 120]
    # decoder MLP
    h = jax.nn.relu(z @ Wd1 + bd1)
    out_dec = h @ Wd2 + bd2  # [E, 1]
    # sparsemax over edges (dim=0)
    return sparsemax_dim0(out_dec)

if __name__ == "__main__":
    import jax
    _d = setup_inputs()
    print(jax.jit(kernel)(*tuple(_d.values())))

</pallas_src>

<mosaic_0001>
#map = affine_map<(d0, d1) -> (0, 0)>
module attributes {stable_mosaic.version = 14 : i64} {
  func.func @_sc_edge_gather(%arg0: i32, %arg1: i32, %arg2: memref<2560x128xi32, #tpu.memory_space<hbm>>, %arg3: memref<2560x128xi32, #tpu.memory_space<hbm>>, %arg4: memref<10240x48xf32, #tpu.memory_space<hbm>>, %arg5: memref<327680x48xf32, #tpu.memory_space<hbm>>, %arg6: memref<327680x48xf32, #tpu.memory_space<hbm>>, %arg7: memref<80x128xi32, #tpu.memory_space<vmem>>, %arg8: memref<80x128xi32, #tpu.memory_space<vmem>>, %arg9: memref<128x48xf32, #tpu.memory_space<vmem>>, %arg10: memref<128x48xf32, #tpu.memory_space<vmem>>, %arg11: memref<!tpu.dma_semaphore, #tpu.memory_space<semaphore_mem>>, %arg12: memref<!tpu.dma_semaphore, #tpu.memory_space<semaphore_mem>>) attributes {dimension_semantics = [#tpu.dimension_semantics<core_parallel>, #tpu.dimension_semantics<subcore_parallel>], iteration_bounds = array<i64: 2, 16>, scalar_prefetch = 0 : i64, scratch_operands = 6 : i64, tpu.core_type = #tpu.core_type<sc_vector_subcore>, window_params = [{transform_indices = #map}, {transform_indices = #map}, {transform_indices = #map}, {transform_indices = #map}, {transform_indices = #map}]} {
    %mul3A = arith.constant 16 : i32
    %mul3A_0 = arith.muli %arg0, %mul3A : i32
    %add3A = arith.addi %mul3A_0, %arg1 : i32
    %mul3A_1 = arith.constant 80 : i32
    %mul3A_2 = arith.muli %add3A, %mul3A_1 : i32
    "tpu.region"() ({
      %run_scoped3A = tpu.sem_alloc : memref<!tpu.dma_semaphore, #tpu.memory_space<semaphore_mem>>
      %dma_start3A = arith.constant 0 : i32
      %dma_start3A_11 = tpu.memref_slice %arg2[%mul3A_2, %dma_start3A] : memref<2560x128xi32, #tpu.memory_space<hbm>> -> memref<80x128xi32, #tpu.memory_space<hbm>>
      %dma_start3A_12 = arith.constant 0 : i32
      %dma_start3A_13 = tpu.memref_slice %arg2[%mul3A_2, %dma_start3A_12] : memref<2560x128xi32, #tpu.memory_space<hbm>> -> memref<80x128xi32, #tpu.memory_space<hbm>>
      tpu.enqueue_dma source(%dma_start3A_13 : memref<80x128xi32, #tpu.memory_space<hbm>>) target(%arg7 : memref<80x128xi32, #tpu.memory_space<vmem>>) target_semaphore(%run_scoped3A : memref<!tpu.dma_semaphore, #tpu.memory_space<semaphore_mem>>)
      %dma_wait3A = arith.constant 0 : i32
      %dma_wait3A_14 = tpu.memref_slice %arg2[%mul3A_2, %dma_wait3A] : memref<2560x128xi32, #tpu.memory_space<hbm>> -> memref<80x128xi32, #tpu.memory_space<hbm>>
      %dma_wait3A_15 = arith.constant 0 : i32
      %dma_wait3A_16 = tpu.memref_slice %arg2[%mul3A_2, %dma_wait3A_15] : memref<2560x128xi32, #tpu.memory_space<hbm>> -> memref<80x128xi32, #tpu.memory_space<hbm>>
      tpu.wait_dma2 semaphore(%run_scoped3A : memref<!tpu.dma_semaphore, #tpu.memory_space<semaphore_mem>>) src(%dma_wait3A_16 : memref<80x128xi32, #tpu.memory_space<hbm>>) dst(%arg7 : memref<80x128xi32, #tpu.memory_space<vmem>>)
      tpu.yield
    }) : () -> ()
    %mul3A_3 = arith.constant 80 : i32
    %mul3A_4 = arith.muli %add3A, %mul3A_3 : i32
    "tpu.region"() ({
      %run_scoped3A = tpu.sem_alloc : memref<!tpu.dma_semaphore, #tpu.memory_space<semaphore_mem>>
      %dma_start3A = arith.constant 0 : i32
      %dma_start3A_11 = tpu.memref_slice %arg3[%mul3A_4, %dma_start3A] : memref<2560x128xi32, #tpu.memory_space<hbm>> -> memref<80x128xi32, #tpu.memory_space<hbm>>
      %dma_start3A_12 = arith.constant 0 : i32
      %dma_start3A_13 = tpu.memref_slice %arg3[%mul3A_4, %dma_start3A_12] : memref<2560x128xi32, #tpu.memory_space<hbm>> -> memref<80x128xi32, #tpu.memory_space<hbm>>
      tpu.enqueue_dma source(%dma_start3A_13 : memref<80x128xi32, #tpu.memory_space<hbm>>) target(%arg8 : memref<80x128xi32, #tpu.memory_space<vmem>>) target_semaphore(%run_scoped3A : memref<!tpu.dma_semaphore, #tpu.memory_space<semaphore_mem>>)
      %dma_wait3A = arith.constant 0 : i32
      %dma_wait3A_14 = tpu.memref_slice %arg3[%mul3A_4, %dma_wait3A] : memref<2560x128xi32, #tpu.memory_space<hbm>> -> memref<80x128xi32, #tpu.memory_space<hbm>>
      %dma_wait3A_15 = arith.constant 0 : i32
      %dma_wait3A_16 = tpu.memref_slice %arg3[%mul3A_4, %dma_wait3A_15] : memref<2560x128xi32, #tpu.memory_space<hbm>> -> memref<80x128xi32, #tpu.memory_space<hbm>>
      tpu.wait_dma2 semaphore(%run_scoped3A : memref<!tpu.dma_semaphore, #tpu.memory_space<semaphore_mem>>) src(%dma_wait3A_16 : memref<80x128xi32, #tpu.memory_space<hbm>>) dst(%arg8 : memref<80x128xi32, #tpu.memory_space<vmem>>)
      tpu.yield
    }) : () -> ()
    %scan3A = arith.constant 0 : i32
    %scan3A_5 = arith.constant 0 : i32
    %scan3A_6 = arith.constant 80 : i32
    %scan3A_7 = arith.addi %scan3A_5, %scan3A_6 : i32
    %scan3A_8 = arith.constant 1 : i32
    %scan3A_9 = scf.for %scan3A_11 = %scan3A_5 to %scan3A_7 step %scan3A_8 iter_args(%scan3A_12 = %scan3A) -> (i32)  : i32 {
      %dma_start3A = arith.constant 0 : i32
      %dma_start3A_13 = tpu.memref_slice %arg7[%scan3A_11, %dma_start3A] : memref<80x128xi32, #tpu.memory_space<vmem>> -> memref<1x128xi32, #tpu.memory_space<vmem>>
      %dma_start3A_14 = tpu.memref_squeeze %dma_start3A_13 : memref<1x128xi32, #tpu.memory_space<vmem>> -> memref<128xi32, #tpu.memory_space<vmem>>
      %dma_start3A_15 = arith.constant 0 : i32
      %dma_start3A_16 = arith.constant 0 : i32
      %dma_start3A_17 = tpu.memref_slice %arg4[%dma_start3A_15, %dma_start3A_16] : memref<10240x48xf32, #tpu.memory_space<hbm>> -> memref<10240x48xf32, #tpu.memory_space<hbm>>
      tpu.enqueue_indirect_dma source(%dma_start3A_17 : memref<10240x48xf32, #tpu.memory_space<hbm>>) target(%arg9 : memref<128x48xf32, #tpu.memory_space<vmem>>) offsets(%dma_start3A_14 : memref<128xi32, #tpu.memory_space<vmem>>) semaphore(%arg11 : memref<!tpu.dma_semaphore, #tpu.memory_space<semaphore_mem>>)
      %dma_start3A_18 = arith.constant 0 : i32
      %dma_start3A_19 = tpu.memref_slice %arg8[%scan3A_11, %dma_start3A_18] : memref<80x128xi32, #tpu.memory_space<vmem>> -> memref<1x128xi32, #tpu.memory_space<vmem>>
      %dma_start3A_20 = tpu.memref_squeeze %dma_start3A_19 : memref<1x128xi32, #tpu.memory_space<vmem>> -> memref<128xi32, #tpu.memory_space<vmem>>
      %dma_start3A_21 = arith.constant 0 : i32
      %dma_start3A_22 = arith.constant 0 : i32
      %dma_start3A_23 = tpu.memref_slice %arg4[%dma_start3A_21, %dma_start3A_22] : memref<10240x48xf32, #tpu.memory_space<hbm>> -> memref<10240x48xf32, #tpu.memory_space<hbm>>
      tpu.enqueue_indirect_dma source(%dma_start3A_23 : memref<10240x48xf32, #tpu.memory_space<hbm>>) target(%arg10 : memref<128x48xf32, #tpu.memory_space<vmem>>) offsets(%dma_start3A_20 : memref<128xi32, #tpu.memory_space<vmem>>) semaphore(%arg12 : memref<!tpu.dma_semaphore, #tpu.memory_space<semaphore_mem>>)
      %dma_wait3A = arith.constant 0 : i32
      %dma_wait3A_24 = tpu.memref_slice %arg7[%scan3A_11, %dma_wait3A] : memref<80x128xi32, #tpu.memory_space<vmem>> -> memref<1x128xi32, #tpu.memory_space<vmem>>
      %dma_wait3A_25 = tpu.memref_squeeze %dma_wait3A_24 : memref<1x128xi32, #tpu.memory_space<vmem>> -> memref<128xi32, #tpu.memory_space<vmem>>
      %dma_wait3A_26 = arith.constant 0 : i32
      %dma_wait3A_27 = arith.constant 0 : i32
      %dma_wait3A_28 = tpu.memref_slice %arg4[%dma_wait3A_26, %dma_wait3A_27] : memref<10240x48xf32, #tpu.memory_space<hbm>> -> memref<10240x48xf32, #tpu.memory_space<hbm>>
      tpu.wait_indirect_dma semaphore(%arg11 : memref<!tpu.dma_semaphore, #tpu.memory_space<semaphore_mem>>) src(%dma_wait3A_28 : memref<10240x48xf32, #tpu.memory_space<hbm>>) dst(%arg9 : memref<128x48xf32, #tpu.memory_space<vmem>>)
      %dma_wait3A_29 = arith.constant 0 : i32
      %dma_wait3A_30 = tpu.memref_slice %arg8[%scan3A_11, %dma_wait3A_29] : memref<80x128xi32, #tpu.memory_space<vmem>> -> memref<1x128xi32, #tpu.memory_space<vmem>>
      %dma_wait3A_31 = tpu.memref_squeeze %dma_wait3A_30 : memref<1x128xi32, #tpu.memory_space<vmem>> -> memref<128xi32, #tpu.memory_space<vmem>>
      %dma_wait3A_32 = arith.constant 0 : i32
      %dma_wait3A_33 = arith.constant 0 : i32
      %dma_wait3A_34 = tpu.memref_slice %arg4[%dma_wait3A_32, %dma_wait3A_33] : memref<10240x48xf32, #tpu.memory_space<hbm>> -> memref<10240x48xf32, #tpu.memory_space<hbm>>
      tpu.wait_indirect_dma semaphore(%arg12 : memref<!tpu.dma_semaphore, #tpu.memory_space<semaphore_mem>>) src(%dma_wait3A_34 : memref<10240x48xf32, #tpu.memory_space<hbm>>) dst(%arg10 : memref<128x48xf32, #tpu.memory_space<vmem>>)
      %mul3A_35 = arith.constant 10240 : i32
      %mul3A_36 = arith.muli %add3A, %mul3A_35 : i32
      %mul3A_37 = arith.constant 128 : i32
      %mul3A_38 = arith.muli %scan3A_11, %mul3A_37 : i32
      %add3A_39 = arith.addi %mul3A_36, %mul3A_38 : i32
      "tpu.region"() ({
        %run_scoped3A = tpu.sem_alloc : memref<!tpu.dma_semaphore, #tpu.memory_space<semaphore_mem>>
        %dma_start3A_41 = arith.constant 0 : i32
        %dma_start3A_42 = tpu.memref_slice %arg5[%add3A_39, %dma_start3A_41] : memref<327680x48xf32, #tpu.memory_space<hbm>> -> memref<128x48xf32, #tpu.memory_space<hbm>>
        %dma_start3A_43 = arith.constant 0 : i32
        %dma_start3A_44 = tpu.memref_slice %arg5[%add3A_39, %dma_start3A_43] : memref<327680x48xf32, #tpu.memory_space<hbm>> -> memref<128x48xf32, #tpu.memory_space<hbm>>
        tpu.enqueue_dma source(%arg9 : memref<128x48xf32, #tpu.memory_space<vmem>>) target(%dma_start3A_44 : memref<128x48xf32, #tpu.memory_space<hbm>>) target_semaphore(%run_scoped3A : memref<!tpu.dma_semaphore, #tpu.memory_space<semaphore_mem>>)
        %dma_wait3A_45 = arith.constant 0 : i32
        %dma_wait3A_46 = tpu.memref_slice %arg5[%add3A_39, %dma_wait3A_45] : memref<327680x48xf32, #tpu.memory_space<hbm>> -> memref<128x48xf32, #tpu.memory_space<hbm>>
        %dma_wait3A_47 = arith.constant 0 : i32
        %dma_wait3A_48 = tpu.memref_slice %arg5[%add3A_39, %dma_wait3A_47] : memref<327680x48xf32, #tpu.memory_space<hbm>> -> memref<128x48xf32, #tpu.memory_space<hbm>>
        tpu.wait_dma2 semaphore(%run_scoped3A : memref<!tpu.dma_semaphore, #tpu.memory_space<semaphore_mem>>) src(%arg9 : memref<128x48xf32, #tpu.memory_space<vmem>>) dst(%dma_wait3A_48 : memref<128x48xf32, #tpu.memory_space<hbm>>)
        tpu.yield
      }) : () -> ()
      "tpu.region"() ({
        %run_scoped3A = tpu.sem_alloc : memref<!tpu.dma_semaphore, #tpu.memory_space<semaphore_mem>>
        %dma_start3A_41 = arith.constant 0 : i32
        %dma_start3A_42 = tpu.memref_slice %arg6[%add3A_39, %dma_start3A_41] : memref<327680x48xf32, #tpu.memory_space<hbm>> -> memref<128x48xf32, #tpu.memory_space<hbm>>
        %dma_start3A_43 = arith.constant 0 : i32
        %dma_start3A_44 = tpu.memref_slice %arg6[%add3A_39, %dma_start3A_43] : memref<327680x48xf32, #tpu.memory_space<hbm>> -> memref<128x48xf32, #tpu.memory_space<hbm>>
        tpu.enqueue_dma source(%arg10 : memref<128x48xf32, #tpu.memory_space<vmem>>) target(%dma_start3A_44 : memref<128x48xf32, #tpu.memory_space<hbm>>) target_semaphore(%run_scoped3A : memref<!tpu.dma_semaphore, #tpu.memory_space<semaphore_mem>>)
        %dma_wait3A_45 = arith.constant 0 : i32
        %dma_wait3A_46 = tpu.memref_slice %arg6[%add3A_39, %dma_wait3A_45] : memref<327680x48xf32, #tpu.memory_space<hbm>> -> memref<128x48xf32, #tpu.memory_space<hbm>>
        %dma_wait3A_47 = arith.constant 0 : i32
        %dma_wait3A_48 = tpu.memref_slice %arg6[%add3A_39, %dma_wait3A_47] : memref<327680x48xf32, #tpu.memory_space<hbm>> -> memref<128x48xf32, #tpu.memory_space<hbm>>
        tpu.wait_dma2 semaphore(%run_scoped3A : memref<!tpu.dma_semaphore, #tpu.memory_space<semaphore_mem>>) src(%arg10 : memref<128x48xf32, #tpu.memory_space<vmem>>) dst(%dma_wait3A_48 : memref<128x48xf32, #tpu.memory_space<hbm>>)
        tpu.yield
      }) : () -> ()
      %scan3A_40 = arith.constant 0 : i32
      scf.yield %scan3A_40 : i32
    }
    %scan3A_10 = arith.constant 80 : i32
    return
  }
}

#map = affine_map<(d0, d1) -> (0, 0)>
module attributes {stable_mosaic.version = 14 : i64} {
  func.func @_sc_deg(%arg0: i32, %arg1: i32, %arg2: memref<2560x128xi32, #tpu.memory_space<hbm>>, %arg3: memref<32x10240xf32, #tpu.memory_space<hbm>>, %arg4: memref<10240xf32, #tpu.memory_space<vmem>>, %arg5: memref<80x128xi32, #tpu.memory_space<vmem>>) attributes {dimension_semantics = [#tpu.dimension_semantics<core_parallel>, #tpu.dimension_semantics<subcore_parallel>], iteration_bounds = array<i64: 2, 16>, scalar_prefetch = 0 : i64, scratch_operands = 2 : i64, tpu.core_type = #tpu.core_type<sc_vector_subcore>, window_params = [{transform_indices = #map}, {transform_indices = #map}]} {
    %mul3A = arith.constant 16 : i32
    %mul3A_0 = arith.muli %arg0, %mul3A : i32
    %add3A = arith.addi %mul3A_0, %arg1 : i32
    %scan3A = arith.constant 0 : i32
    %scan3A_1 = arith.constant 0 : i32
    %scan3A_2 = arith.constant 640 : i32
    %scan3A_3 = arith.addi %scan3A_1, %scan3A_2 : i32
    %scan3A_4 = arith.constant 1 : i32
    %scan3A_5 = scf.for %scan3A_17 = %scan3A_1 to %scan3A_3 step %scan3A_4 iter_args(%scan3A_18 = %scan3A) -> (i32)  : i32 {
      %broadcast_in_dim3A_19 = arith.constant 0.000000e+00 : f32
      %broadcast_in_dim3A_20 = vector.broadcast %broadcast_in_dim3A_19 : f32 to vector<16xf32>
      %mul3A_21 = arith.constant 16 : i32
      %mul3A_22 = arith.muli %scan3A_17, %mul3A_21 : i32
      %swap3A = arith.index_cast %mul3A_22 : i32 to index
      %swap3A_23 = tpu.vector_load %arg4[%swap3A] {strides = array<i32>} : memref<10240xf32, #tpu.memory_space<vmem>>, vector<16xf32>,
      tpu.vector_store %arg4[%swap3A], %broadcast_in_dim3A_20 {strides = array<i32>} : memref<10240xf32, #tpu.memory_space<vmem>>, vector<16xf32>,
      %scan3A_24 = arith.constant 0 : i32
      scf.yield %scan3A_24 : i32
    }
    %scan3A_6 = arith.constant 640 : i32
    %mul3A_7 = arith.constant 80 : i32
    %mul3A_8 = arith.muli %add3A, %mul3A_7 : i32
    "tpu.region"() ({
      %run_scoped3A = tpu.sem_alloc : memref<!tpu.dma_semaphore, #tpu.memory_space<semaphore_mem>>
      %dma_start3A = arith.constant 0 : i32
      %dma_start3A_17 = tpu.memref_slice %arg2[%mul3A_8, %dma_start3A] : memref<2560x128xi32, #tpu.memory_space<hbm>> -> memref<80x128xi32, #tpu.memory_space<hbm>>
      %dma_start3A_18 = arith.constant 0 : i32
      %dma_start3A_19 = tpu.memref_slice %arg2[%mul3A_8, %dma_start3A_18] : memref<2560x128xi32, #tpu.memory_space<hbm>> -> memref<80x128xi32, #tpu.memory_space<hbm>>
      tpu.enqueue_dma source(%dma_start3A_19 : memref<80x128xi32, #tpu.memory_space<hbm>>) target(%arg5 : memref<80x128xi32, #tpu.memory_space<vmem>>) target_semaphore(%run_scoped3A : memref<!tpu.dma_semaphore, #tpu.memory_space<semaphore_mem>>)
      %dma_wait3A = arith.constant 0 : i32
      %dma_wait3A_20 = tpu.memref_slice %arg2[%mul3A_8, %dma_wait3A] : memref<2560x128xi32, #tpu.memory_space<hbm>> -> memref<80x128xi32, #tpu.memory_space<hbm>>
      %dma_wait3A_21 = arith.constant 0 : i32
      %dma_wait3A_22 = tpu.memref_slice %arg2[%mul3A_8, %dma_wait3A_21] : memref<2560x128xi32, #tpu.memory_space<hbm>> -> memref<80x128xi32, #tpu.memory_space<hbm>>
      tpu.wait_dma2 semaphore(%run_scoped3A : memref<!tpu.dma_semaphore, #tpu.memory_space<semaphore_mem>>) src(%dma_wait3A_22 : memref<80x128xi32, #tpu.memory_space<hbm>>) dst(%arg5 : memref<80x128xi32, #tpu.memory_space<vmem>>)
      tpu.yield
    }) : () -> ()
    %broadcast_in_dim3A = arith.constant 1.000000e+00 : f32
    %broadcast_in_dim3A_9 = vector.broadcast %broadcast_in_dim3A : f32 to vector<16xf32>
    %scan3A_10 = arith.constant 0 : i32
    %scan3A_11 = arith.constant 0 : i32
    %scan3A_12 = arith.constant 80 : i32
    %scan3A_13 = arith.addi %scan3A_11, %scan3A_12 : i32
    %scan3A_14 = arith.constant 1 : i32
    %scan3A_15 = scf.for %scan3A_17 = %scan3A_11 to %scan3A_13 step %scan3A_14 iter_args(%scan3A_18 = %scan3A_10) -> (i32)  : i32 {
      %get3A = arith.index_cast %scan3A_17 : i32 to index
      %get3A_19 = arith.constant 0 : index
      %get3A_20 = tpu.vector_load %arg5[%get3A, %get3A_19] {strides = array<i32>} : memref<80x128xi32, #tpu.memory_space<vmem>>, vector<16xi32>,
      tpu.vector_store_idx %arg4[%get3A_20], %broadcast_in_dim3A_9 {add = true} : memref<10240xf32, #tpu.memory_space<vmem>>[vector<16xi32>], vector<16xf32>,
      %get3A_21 = arith.index_cast %scan3A_17 : i32 to index
      %get3A_22 = arith.constant 16 : index
      %get3A_23 = tpu.vector_load %arg5[%get3A_21, %get3A_22] {strides = array<i32>} : memref<80x128xi32, #tpu.memory_space<vmem>>, vector<16xi32>,
      tpu.vector_store_idx %arg4[%get3A_23], %broadcast_in_dim3A_9 {add = true} : memref<10240xf32, #tpu.memory_space<vmem>>[vector<16xi32>], vector<16xf32>,
      %get3A_24 = arith.index_cast %scan3A_17 : i32 to index
      %get3A_25 = arith.constant 32 : index
      %get3A_26 = tpu.vector_load %arg5[%get3A_24, %get3A_25] {strides = array<i32>} : memref<80x128xi32, #tpu.memory_space<vmem>>, vector<16xi32>,
      tpu.vector_store_idx %arg4[%get3A_26], %broadcast_in_dim3A_9 {add = true} : memref<10240xf32, #tpu.memory_space<vmem>>[vector<16xi32>], vector<16xf32>,
      %get3A_27 = arith.index_cast %scan3A_17 : i32 to index
      %get3A_28 = arith.constant 48 : index
      %get3A_29 = tpu.vector_load %arg5[%get3A_27, %get3A_28] {strides = array<i32>} : memref<80x128xi32, #tpu.memory_space<vmem>>, vector<16xi32>,
      tpu.vector_store_idx %arg4[%get3A_29], %broadcast_in_dim3A_9 {add = true} : memref<10240xf32, #tpu.memory_space<vmem>>[vector<16xi32>], vector<16xf32>,
      %get3A_30 = arith.index_cast %scan3A_17 : i32 to index
      %get3A_31 = arith.constant 64 : index
      %get3A_32 = tpu.vector_load %arg5[%get3A_30, %get3A_31] {strides = array<i32>} : memref<80x128xi32, #tpu.memory_space<vmem>>, vector<16xi32>,
      tpu.vector_store_idx %arg4[%get3A_32], %broadcast_in_dim3A_9 {add = true} : memref<10240xf32, #tpu.memory_space<vmem>>[vector<16xi32>], vector<16xf32>,
      %get3A_33 = arith.index_cast %scan3A_17 : i32 to index
      %get3A_34 = arith.constant 80 : index
      %get3A_35 = tpu.vector_load %arg5[%get3A_33, %get3A_34] {strides = array<i32>} : memref<80x128xi32, #tpu.memory_space<vmem>>, vector<16xi32>,
      tpu.vector_store_idx %arg4[%get3A_35], %broadcast_in_dim3A_9 {add = true} : memref<10240xf32, #tpu.memory_space<vmem>>[vector<16xi32>], vector<16xf32>,
      %get3A_36 = arith.index_cast %scan3A_17 : i32 to index
      %get3A_37 = arith.constant 96 : index
      %get3A_38 = tpu.vector_load %arg5[%get3A_36, %get3A_37] {strides = array<i32>} : memref<80x128xi32, #tpu.memory_space<vmem>>, vector<16xi32>,
      tpu.vector_store_idx %arg4[%get3A_38], %broadcast_in_dim3A_9 {add = true} : memref<10240xf32, #tpu.memory_space<vmem>>[vector<16xi32>], vector<16xf32>,
      %get3A_39 = arith.index_cast %scan3A_17 : i32 to index
      %get3A_40 = arith.constant 112 : index
      %get3A_41 = tpu.vector_load %arg5[%get3A_39, %get3A_40] {strides = array<i32>} : memref<80x128xi32, #tpu.memory_space<vmem>>, vector<16xi32>,
      tpu.vector_store_idx %arg4[%get3A_41], %broadcast_in_dim3A_9 {add = true} : memref<10240xf32, #tpu.memory_space<vmem>>[vector<16xi32>], vector<16xf32>,
      %scan3A_42 = arith.constant 0 : i32
      scf.yield %scan3A_42 : i32
    }
    %scan3A_16 = arith.constant 80 : i32
    "tpu.region"() ({
      %run_scoped3A = tpu.sem_alloc : memref<!tpu.dma_semaphore, #tpu.memory_space<semaphore_mem>>
      %dma_start3A = arith.constant 0 : i32
      %dma_start3A_17 = tpu.memref_slice %arg3[%add3A, %dma_start3A] : memref<32x10240xf32, #tpu.memory_space<hbm>> -> memref<1x10240xf32, #tpu.memory_space<hbm>>
      %dma_start3A_18 = tpu.memref_squeeze %dma_start3A_17 : memref<1x10240xf32, #tpu.memory_space<hbm>> -> memref<10240xf32, #tpu.memory_space<hbm>>
      %dma_start3A_19 = arith.constant 0 : i32
      %dma_start3A_20 = tpu.memref_slice %arg3[%add3A, %dma_start3A_19] : memref<32x10240xf32, #tpu.memory_space<hbm>> -> memref<1x10240xf32, #tpu.memory_space<hbm>>
      %dma_start3A_21 = tpu.memref_squeeze %dma_start3A_20 : memref<1x10240xf32, #tpu.memory_space<hbm>> -> memref<10240xf32, #tpu.memory_space<hbm>>
      tpu.enqueue_dma source(%arg4 : memref<10240xf32, #tpu.memory_space<vmem>>) target(%dma_start3A_21 : memref<10240xf32, #tpu.memory_space<hbm>>) target_semaphore(%run_scoped3A : memref<!tpu.dma_semaphore, #tpu.memory_space<semaphore_mem>>)
      %dma_wait3A = arith.constant 0 : i32
      %dma_wait3A_22 = tpu.memref_slice %arg3[%add3A, %dma_wait3A] : memref<32x10240xf32, #tpu.memory_space<hbm>> -> memref<1x10240xf32, #tpu.memory_space<hbm>>
      %dma_wait3A_23 = tpu.memref_squeeze %dma_wait3A_22 : memref<1x10240xf32, #tpu.memory_space<hbm>> -> memref<10240xf32, #tpu.memory_space<hbm>>
      %dma_wait3A_24 = arith.constant 0 : i32
      %dma_wait3A_25 = tpu.memref_slice %arg3[%add3A, %dma_wait3A_24] : memref<32x10240xf32, #tpu.memory_space<hbm>> -> memref<1x10240xf32, #tpu.memory_space<hbm>>
      %dma_wait3A_26 = tpu.memref_squeeze %dma_wait3A_25 : memref<1x10240xf32, #tpu.memory_space<hbm>> -> memref<10240xf32, #tpu.memory_space<hbm>>
      tpu.wait_dma2 semaphore(%run_scoped3A : memref<!tpu.dma_semaphore, #tpu.memory_space<semaphore_mem>>) src(%arg4 : memref<10240xf32, #tpu.memory_space<vmem>>) dst(%dma_wait3A_26 : memref<10240xf32, #tpu.memory_space<hbm>>)
      tpu.yield
    }) : () -> ()
    return
  }
}

#map = affine_map<(d0, d1) -> (0, 0)>
#map1 = affine_map<(d0, d1) -> (0, 0, 0)>
module attributes {stable_mosaic.version = 14 : i64} {
  func.func @_sc_conv(%arg0: i32, %arg1: i32, %arg2: memref<2560x128xi32, #tpu.memory_space<hbm>>, %arg3: memref<2560x128xi32, #tpu.memory_space<hbm>>, %arg4: memref<10240x32xf32, #tpu.memory_space<hbm>>, %arg5: memref<2x10240x32xf32, #tpu.memory_space<hbm>>, %arg6: memref<80x128xi32, #tpu.memory_space<vmem>>, %arg7: memref<80x128xi32, #tpu.memory_space<vmem>>, %arg8: memref<128x32xf32, #tpu.memory_space<vmem>>, %arg9: memref<128x32xf32, #tpu.memory_space<vmem>>, %arg10: memref<128x32xf32, #tpu.memory_space<vmem>>, %arg11: memref<128x32xf32, #tpu.memory_space<vmem>>, %arg12: memref<640x32xf32, #tpu.memory_space<vmem>>, %arg13: memref<10240x32xf32, #tpu.memory_space<vmem_shared>>, %arg14: memref<!tpu.dma_semaphore, #tpu.memory_space<semaphore_mem>>, %arg15: memref<!tpu.dma_semaphore, #tpu.memory_space<semaphore_mem>>, %arg16: memref<!tpu.dma_semaphore, #tpu.memory_space<semaphore_mem>>, %arg17: memref<!tpu.dma_semaphore, #tpu.memory_space<semaphore_mem>>) attributes {dimension_semantics = [#tpu.dimension_semantics<core_parallel>, #tpu.dimension_semantics<subcore_parallel>], iteration_bounds = array<i64: 2, 16>, scalar_prefetch = 0 : i64, scratch_operands = 12 : i64, tpu.core_type = #tpu.core_type<sc_vector_subcore>, window_params = [{transform_indices = #map}, {transform_indices = #map}, {transform_indices = #map}, {transform_indices = #map1}]} {
    %mul3A = arith.constant 16 : i32
    %mul3A_0 = arith.muli %arg0, %mul3A : i32
    %add3A = arith.addi %mul3A_0, %arg1 : i32
    %scan3A = arith.constant 0 : i32
    %scan3A_1 = arith.constant 0 : i32
    %scan3A_2 = arith.constant 640 : i32
    %scan3A_3 = arith.addi %scan3A_1, %scan3A_2 : i32
    %scan3A_4 = arith.constant 1 : i32
    %scan3A_5 = scf.for %scan3A_25 = %scan3A_1 to %scan3A_3 step %scan3A_4 iter_args(%scan3A_26 = %scan3A) -> (i32)  : i32 {
      %broadcast_in_dim3A = arith.constant 0.000000e+00 : f32
      %broadcast_in_dim3A_27 = vector.broadcast %broadcast_in_dim3A : f32 to vector<16xf32>
      %swap3A = arith.index_cast %scan3A_25 : i32 to index
      %swap3A_28 = arith.constant 0 : index
      %swap3A_29 = tpu.vector_load %arg12[%swap3A, %swap3A_28] {strides = array<i32>} : memref<640x32xf32, #tpu.memory_space<vmem>>, vector<16xf32>,
      tpu.vector_store %arg12[%swap3A, %swap3A_28], %broadcast_in_dim3A_27 {strides = array<i32>} : memref<640x32xf32, #tpu.memory_space<vmem>>, vector<16xf32>,
      %broadcast_in_dim3A_30 = arith.constant 0.000000e+00 : f32
      %broadcast_in_dim3A_31 = vector.broadcast %broadcast_in_dim3A_30 : f32 to vector<16xf32>
      %swap3A_32 = arith.index_cast %scan3A_25 : i32 to index
      %swap3A_33 = arith.constant 16 : index
      %swap3A_34 = tpu.vector_load %arg12[%swap3A_32, %swap3A_33] {strides = array<i32>} : memref<640x32xf32, #tpu.memory_space<vmem>>, vector<16xf32>,
      tpu.vector_store %arg12[%swap3A_32, %swap3A_33], %broadcast_in_dim3A_31 {strides = array<i32>} : memref<640x32xf32, #tpu.memory_space<vmem>>, vector<16xf32>,
      %scan3A_35 = arith.constant 0 : i32
      scf.yield %scan3A_35 : i32
    }
    %scan3A_6 = arith.constant 640 : i32
    %mul3A_7 = arith.constant 640 : i32
    %mul3A_8 = arith.muli %arg1, %mul3A_7 : i32
    "tpu.region"() ({
      %run_scoped3A = tpu.sem_alloc : memref<!tpu.dma_semaphore, #tpu.memory_space<semaphore_mem>>
      %dma_start3A = arith.constant 0 : i32
      %dma_start3A_25 = tpu.memref_slice %arg13[%mul3A_8, %dma_start3A] : memref<10240x32xf32, #tpu.memory_space<vmem_shared>> -> memref<640x32xf32, #tpu.memory_space<vmem_shared>>
      %dma_start3A_26 = arith.constant 0 : i32
      %dma_start3A_27 = tpu.memref_slice %arg13[%mul3A_8, %dma_start3A_26] : memref<10240x32xf32, #tpu.memory_space<vmem_shared>> -> memref<640x32xf32, #tpu.memory_space<vmem_shared>>
      tpu.enqueue_dma source(%arg12 : memref<640x32xf32, #tpu.memory_space<vmem>>) target(%dma_start3A_27 : memref<640x32xf32, #tpu.memory_space<vmem_shared>>) target_semaphore(%run_scoped3A : memref<!tpu.dma_semaphore, #tpu.memory_space<semaphore_mem>>)
      %dma_wait3A = arith.constant 0 : i32
      %dma_wait3A_28 = tpu.memref_slice %arg13[%mul3A_8, %dma_wait3A] : memref<10240x32xf32, #tpu.memory_space<vmem_shared>> -> memref<640x32xf32, #tpu.memory_space<vmem_shared>>
      %dma_wait3A_29 = arith.constant 0 : i32
      %dma_wait3A_30 = tpu.memref_slice %arg13[%mul3A_8, %dma_wait3A_29] : memref<10240x32xf32, #tpu.memory_space<vmem_shared>> -> memref<640x32xf32, #tpu.memory_space<vmem_shared>>
      tpu.wait_dma2 semaphore(%run_scoped3A : memref<!tpu.dma_semaphore, #tpu.memory_space<semaphore_mem>>) src(%arg12 : memref<640x32xf32, #tpu.memory_space<vmem>>) dst(%dma_wait3A_30 : memref<640x32xf32, #tpu.memory_space<vmem_shared>>)
      tpu.yield
    }) : () -> ()
    %barrier3A = arith.constant 0 : index
    tpu.barrier barrier_id(%barrier3A)
    %mul3A_9 = arith.constant 80 : i32
    %mul3A_10 = arith.muli %add3A, %mul3A_9 : i32
    "tpu.region"() ({
      %run_scoped3A = tpu.sem_alloc : memref<!tpu.dma_semaphore, #tpu.memory_space<semaphore_mem>>
      %dma_start3A = arith.constant 0 : i32
      %dma_start3A_25 = tpu.memref_slice %arg2[%mul3A_10, %dma_start3A] : memref<2560x128xi32, #tpu.memory_space<hbm>> -> memref<80x128xi32, #tpu.memory_space<hbm>>
      %dma_start3A_26 = arith.constant 0 : i32
      %dma_start3A_27 = tpu.memref_slice %arg2[%mul3A_10, %dma_start3A_26] : memref<2560x128xi32, #tpu.memory_space<hbm>> -> memref<80x128xi32, #tpu.memory_space<hbm>>
      tpu.enqueue_dma source(%dma_start3A_27 : memref<80x128xi32, #tpu.memory_space<hbm>>) target(%arg6 : memref<80x128xi32, #tpu.memory_space<vmem>>) target_semaphore(%run_scoped3A : memref<!tpu.dma_semaphore, #tpu.memory_space<semaphore_mem>>)
      %dma_wait3A = arith.constant 0 : i32
      %dma_wait3A_28 = tpu.memref_slice %arg2[%mul3A_10, %dma_wait3A] : memref<2560x128xi32, #tpu.memory_space<hbm>> -> memref<80x128xi32, #tpu.memory_space<hbm>>
      %dma_wait3A_29 = arith.constant 0 : i32
      %dma_wait3A_30 = tpu.memref_slice %arg2[%mul3A_10, %dma_wait3A_29] : memref<2560x128xi32, #tpu.memory_space<hbm>> -> memref<80x128xi32, #tpu.memory_space<hbm>>
      tpu.wait_dma2 semaphore(%run_scoped3A : memref<!tpu.dma_semaphore, #tpu.memory_space<semaphore_mem>>) src(%dma_wait3A_30 : memref<80x128xi32, #tpu.memory_space<hbm>>) dst(%arg6 : memref<80x128xi32, #tpu.memory_space<vmem>>)
      tpu.yield
    }) : () -> ()
    %mul3A_11 = arith.constant 80 : i32
    %mul3A_12 = arith.muli %add3A, %mul3A_11 : i32
    "tpu.region"() ({
      %run_scoped3A = tpu.sem_alloc : memref<!tpu.dma_semaphore, #tpu.memory_space<semaphore_mem>>
      %dma_start3A = arith.constant 0 : i32
      %dma_start3A_25 = tpu.memref_slice %arg3[%mul3A_12, %dma_start3A] : memref<2560x128xi32, #tpu.memory_space<hbm>> -> memref<80x128xi32, #tpu.memory_space<hbm>>
      %dma_start3A_26 = arith.constant 0 : i32
      %dma_start3A_27 = tpu.memref_slice %arg3[%mul3A_12, %dma_start3A_26] : memref<2560x128xi32, #tpu.memory_space<hbm>> -> memref<80x128xi32, #tpu.memory_space<hbm>>
      tpu.enqueue_dma source(%dma_start3A_27 : memref<80x128xi32, #tpu.memory_space<hbm>>) target(%arg7 : memref<80x128xi32, #tpu.memory_space<vmem>>) target_semaphore(%run_scoped3A : memref<!tpu.dma_semaphore, #tpu.memory_space<semaphore_mem>>)
      %dma_wait3A = arith.constant 0 : i32
      %dma_wait3A_28 = tpu.memref_slice %arg3[%mul3A_12, %dma_wait3A] : memref<2560x128xi32, #tpu.memory_space<hbm>> -> memref<80x128xi32, #tpu.memory_space<hbm>>
      %dma_wait3A_29 = arith.constant 0 : i32
      %dma_wait3A_30 = tpu.memref_slice %arg3[%mul3A_12, %dma_wait3A_29] : memref<2560x128xi32, #tpu.memory_space<hbm>> -> memref<80x128xi32, #tpu.memory_space<hbm>>
      tpu.wait_dma2 semaphore(%run_scoped3A : memref<!tpu.dma_semaphore, #tpu.memory_space<semaphore_mem>>) src(%dma_wait3A_30 : memref<80x128xi32, #tpu.memory_space<hbm>>) dst(%arg7 : memref<80x128xi32, #tpu.memory_space<vmem>>)
      tpu.yield
    }) : () -> ()
    %scan3A_13 = arith.constant 0 : i32
    %scan3A_14 = arith.constant 0 : i32
    %scan3A_15 = arith.constant 20 : i32
    %scan3A_16 = arith.addi %scan3A_14, %scan3A_15 : i32
    %scan3A_17 = arith.constant 1 : i32
    %scan3A_18 = scf.for %scan3A_25 = %scan3A_14 to %scan3A_16 step %scan3A_17 iter_args(%scan3A_26 = %scan3A_13) -> (i32)  : i32 {
      %mul3A_27 = arith.constant 4 : i32
      %mul3A_28 = arith.muli %mul3A_27, %scan3A_25 : i32
      %add3A_29 = arith.constant 0 : i32
      %add3A_30 = arith.addi %mul3A_28, %add3A_29 : i32
      %dma_start3A = arith.constant 0 : i32
      %dma_start3A_31 = tpu.memref_slice %arg6[%add3A_30, %dma_start3A] : memref<80x128xi32, #tpu.memory_space<vmem>> -> memref<1x128xi32, #tpu.memory_space<vmem>>
      %dma_start3A_32 = tpu.memref_squeeze %dma_start3A_31 : memref<1x128xi32, #tpu.memory_space<vmem>> -> memref<128xi32, #tpu.memory_space<vmem>>
      %dma_start3A_33 = arith.constant 0 : i32
      %dma_start3A_34 = arith.constant 0 : i32
      %dma_start3A_35 = tpu.memref_slice %arg4[%dma_start3A_33, %dma_start3A_34] : memref<10240x32xf32, #tpu.memory_space<hbm>> -> memref<10240x32xf32, #tpu.memory_space<hbm>>
      tpu.enqueue_indirect_dma source(%dma_start3A_35 : memref<10240x32xf32, #tpu.memory_space<hbm>>) target(%arg8 : memref<128x32xf32, #tpu.memory_space<vmem>>) offsets(%dma_start3A_32 : memref<128xi32, #tpu.memory_space<vmem>>) semaphore(%arg14 : memref<!tpu.dma_semaphore, #tpu.memory_space<semaphore_mem>>)
      %add3A_36 = arith.constant 1 : i32
      %add3A_37 = arith.addi %mul3A_28, %add3A_36 : i32
      %dma_start3A_38 = arith.constant 0 : i32
      %dma_start3A_39 = tpu.memref_slice %arg6[%add3A_37, %dma_start3A_38] : memref<80x128xi32, #tpu.memory_space<vmem>> -> memref<1x128xi32, #tpu.memory_space<vmem>>
      %dma_start3A_40 = tpu.memref_squeeze %dma_start3A_39 : memref<1x128xi32, #tpu.memory_space<vmem>> -> memref<128xi32, #tpu.memory_space<vmem>>
      %dma_start3A_41 = arith.constant 0 : i32
      %dma_start3A_42 = arith.constant 0 : i32
      %dma_start3A_43 = tpu.memref_slice %arg4[%dma_start3A_41, %dma_start3A_42] : memref<10240x32xf32, #tpu.memory_space<hbm>> -> memref<10240x32xf32, #tpu.memory_space<hbm>>
      tpu.enqueue_indirect_dma source(%dma_start3A_43 : memref<10240x32xf32, #tpu.memory_space<hbm>>) target(%arg9 : memref<128x32xf32, #tpu.memory_space<vmem>>) offsets(%dma_start3A_40 : memref<128xi32, #tpu.memory_space<vmem>>) semaphore(%arg15 : memref<!tpu.dma_semaphore, #tpu.memory_space<semaphore_mem>>)
      %add3A_44 = arith.constant 2 : i32
      %add3A_45 = arith.addi %mul3A_28, %add3A_44 : i32
      %dma_start3A_46 = arith.constant 0 : i32
      %dma_start3A_47 = tpu.memref_slice %arg6[%add3A_45, %dma_start3A_46] : memref<80x128xi32, #tpu.memory_space<vmem>> -> memref<1x128xi32, #tpu.memory_space<vmem>>
      %dma_start3A_48 = tpu.memref_squeeze %dma_start3A_47 : memref<1x128xi32, #tpu.memory_space<vmem>> -> memref<128xi32, #tpu.memory_space<vmem>>
      %dma_start3A_49 = arith.constant 0 : i32
      %dma_start3A_50 = arith.constant 0 : i32
      %dma_start3A_51 = tpu.memref_slice %arg4[%dma_start3A_49, %dma_start3A_50] : memref<10240x32xf32, #tpu.memory_space<hbm>> -> memref<10240x32xf32, #tpu.memory_space<hbm>>
      tpu.enqueue_indirect_dma source(%dma_start3A_51 : memref<10240x32xf32, #tpu.memory_space<hbm>>) target(%arg10 : memref<128x32xf32, #tpu.memory_space<vmem>>) offsets(%dma_start3A_48 : memref<128xi32, #tpu.memory_space<vmem>>) semaphore(%arg16 : memref<!tpu.dma_semaphore, #tpu.memory_space<semaphore_mem>>)
      %add3A_52 = arith.constant 3 : i32
      %add3A_53 = arith.addi %mul3A_28, %add3A_52 : i32
      %dma_start3A_54 = arith.constant 0 : i32
      %dma_start3A_55 = tpu.memref_slice %arg6[%add3A_53, %dma_start3A_54] : memref<80x128xi32, #tpu.memory_space<vmem>> -> memref<1x128xi32, #tpu.memory_space<vmem>>
      %dma_start3A_56 = tpu.memref_squeeze %dma_start3A_55 : memref<1x128xi32, #tpu.memory_space<vmem>> -> memref<128xi32, #tpu.memory_space<vmem>>
      %dma_start3A_57 = arith.constant 0 : i32
      %dma_start3A_58 = arith.constant 0 : i32
      %dma_start3A_59 = tpu.memref_slice %arg4[%dma_start3A_57, %dma_start3A_58] : memref<10240x32xf32, #tpu.memory_space<hbm>> -> memref<10240x32xf32, #tpu.memory_space<hbm>>
      tpu.enqueue_indirect_dma source(%dma_start3A_59 : memref<10240x32xf32, #tpu.memory_space<hbm>>) target(%arg11 : memref<128x32xf32, #tpu.memory_space<vmem>>) offsets(%dma_start3A_56 : memref<128xi32, #tpu.memory_space<vmem>>) semaphore(%arg17 : memref<!tpu.dma_semaphore, #tpu.memory_space<semaphore_mem>>)
      %dma_wait3A = arith.constant 0 : i32
      %dma_wait3A_60 = tpu.memref_slice %arg6[%add3A_30, %dma_wait3A] : memref<80x128xi32, #tpu.memory_space<vmem>> -> memref<1x128xi32, #tpu.memory_space<vmem>>
      %dma_wait3A_61 = tpu.memref_squeeze %dma_wait3A_60 : memref<1x128xi32, #tpu.memory_space<vmem>> -> memref<128xi32, #tpu.memory_space<vmem>>
      %dma_wait3A_62 = arith.constant 0 : i32
      %dma_wait3A_63 = arith.constant 0 : i32
      %dma_wait3A_64 = tpu.memref_slice %arg4[%dma_wait3A_62, %dma_wait3A_63] : memref<10240x32xf32, #tpu.memory_space<hbm>> -> memref<10240x32xf32, #tpu.memory_space<hbm>>
      tpu.wait_indirect_dma semaphore(%arg14 : memref<!tpu.dma_semaphore, #tpu.memory_space<semaphore_mem>>) src(%dma_wait3A_64 : memref<10240x32xf32, #tpu.memory_space<hbm>>) dst(%arg8 : memref<128x32xf32, #tpu.memory_space<vmem>>)
      %add3A_65 = arith.constant 0 : i32
      %add3A_66 = arith.addi %mul3A_28, %add3A_65 : i32
      "tpu.region"() ({
        %run_scoped3A = tpu.sem_alloc : memref<!tpu.dma_semaphore, #tpu.memory_space<semaphore_mem>>
        %dma_start3A_92 = arith.constant 0 : i32
        %dma_start3A_93 = tpu.memref_slice %arg7[%add3A_66, %dma_start3A_92] : memref<80x128xi32, #tpu.memory_space<vmem>> -> memref<1x128xi32, #tpu.memory_space<vmem>>
        %dma_start3A_94 = tpu.memref_squeeze %dma_start3A_93 : memref<1x128xi32, #tpu.memory_space<vmem>> -> memref<128xi32, #tpu.memory_space<vmem>>
        %dma_start3A_95 = arith.constant 0 : i32
        %dma_start3A_96 = arith.constant 0 : i32
        %dma_start3A_97 = tpu.memref_slice %arg13[%dma_start3A_95, %dma_start3A_96] : memref<10240x32xf32, #tpu.memory_space<vmem_shared>> -> memref<10240x32xf32, #tpu.memory_space<vmem_shared>>
        tpu.enqueue_indirect_dma source(%arg8 : memref<128x32xf32, #tpu.memory_space<vmem>>) target(%dma_start3A_97 : memref<10240x32xf32, #tpu.memory_space<vmem_shared>>) offsets(%dma_start3A_94 : memref<128xi32, #tpu.memory_space<vmem>>) semaphore(%run_scoped3A : memref<!tpu.dma_semaphore, #tpu.memory_space<semaphore_mem>>) {add = true}
        %dma_wait3A_98 = arith.constant 0 : i32
        %dma_wait3A_99 = tpu.memref_slice %arg7[%add3A_66, %dma_wait3A_98] : memref<80x128xi32, #tpu.memory_space<vmem>> -> memref<1x128xi32, #tpu.memory_space<vmem>>
        %dma_wait3A_100 = tpu.memref_squeeze %dma_wait3A_99 : memref<1x128xi32, #tpu.memory_space<vmem>> -> memref<128xi32, #tpu.memory_space<vmem>>
        %dma_wait3A_101 = arith.constant 0 : i32
        %dma_wait3A_102 = arith.constant 0 : i32
        %dma_wait3A_103 = tpu.memref_slice %arg13[%dma_wait3A_101, %dma_wait3A_102] : memref<10240x32xf32, #tpu.memory_space<vmem_shared>> -> memref<10240x32xf32, #tpu.memory_space<vmem_shared>>
        tpu.wait_indirect_dma semaphore(%run_scoped3A : memref<!tpu.dma_semaphore, #tpu.memory_space<semaphore_mem>>) src(%arg8 : memref<128x32xf32, #tpu.memory_space<vmem>>) dst(%dma_wait3A_103 : memref<10240x32xf32, #tpu.memory_space<vmem_shared>>)
        tpu.yield
      }) : () -> ()
      %dma_wait3A_67 = arith.constant 0 : i32
      %dma_wait3A_68 = tpu.memref_slice %arg6[%add3A_37, %dma_wait3A_67] : memref<80x128xi32, #tpu.memory_space<vmem>> -> memref<1x128xi32, #tpu.memory_space<vmem>>
      %dma_wait3A_69 = tpu.memref_squeeze %dma_wait3A_68 : memref<1x128xi32, #tpu.memory_space<vmem>> -> memref<128xi32, #tpu.memory_space<vmem>>
      %dma_wait3A_70 = arith.constant 0 : i32
      %dma_wait3A_71 = arith.constant 0 : i32
      %dma_wait3A_72 = tpu.memref_slice %arg4[%dma_wait3A_70, %dma_wait3A_71] : memref<10240x32xf32, #tpu.memory_space<hbm>> -> memref<10240x32xf32, #tpu.memory_space<hbm>>
      tpu.wait_indirect_dma semaphore(%arg15 : memref<!tpu.dma_semaphore, #tpu.memory_space<semaphore_mem>>) src(%dma_wait3A_72 : memref<10240x32xf32, #tpu.memory_space<hbm>>) dst(%arg9 : memref<128x32xf32, #tpu.memory_space<vmem>>)
      %add3A_73 = arith.constant 1 : i32
      %add3A_74 = arith.addi %mul3A_28, %add3A_73 : i32
      "tpu.region"() ({
        %run_scoped3A = tpu.sem_alloc : memref<!tpu.dma_semaphore, #tpu.memory_space<semaphore_mem>>
        %dma_start3A_92 = arith.constant 0 : i32
        %dma_start3A_93 = tpu.memref_slice %arg7[%add3A_74, %dma_start3A_92] : memref<80x128xi32, #tpu.memory_space<vmem>> -> memref<1x128xi32, #tpu.memory_space<vmem>>
        %dma_start3A_94 = tpu.memref_squeeze %dma_start3A_93 : memref<1x128xi32, #tpu.memory_space<vmem>> -> memref<128xi32, #tpu.memory_space<vmem>>
        %dma_start3A_95 = arith.constant 0 : i32
        %dma_start3A_96 = arith.constant 0 : i32
        %dma_start3A_97 = tpu.memref_slice %arg13[%dma_start3A_95, %dma_start3A_96] : memref<10240x32xf32, #tpu.memory_space<vmem_shared>> -> memref<10240x32xf32, #tpu.memory_space<vmem_shared>>
        tpu.enqueue_indirect_dma source(%arg9 : memref<128x32xf32, #tpu.memory_space<vmem>>) target(%dma_start3A_97 : memref<10240x32xf32, #tpu.memory_space<vmem_shared>>) offsets(%dma_start3A_94 : memref<128xi32, #tpu.memory_space<vmem>>) semaphore(%run_scoped3A : memref<!tpu.dma_semaphore, #tpu.memory_space<semaphore_mem>>) {add = true}
        %dma_wait3A_98 = arith.constant 0 : i32
        %dma_wait3A_99 = tpu.memref_slice %arg7[%add3A_74, %dma_wait3A_98] : memref<80x128xi32, #tpu.memory_space<vmem>> -> memref<1x128xi32, #tpu.memory_space<vmem>>
        %dma_wait3A_100 = tpu.memref_squeeze %dma_wait3A_99 : memref<1x128xi32, #tpu.memory_space<vmem>> -> memref<128xi32, #tpu.memory_space<vmem>>
        %dma_wait3A_101 = arith.constant 0 : i32
        %dma_wait3A_102 = arith.constant 0 : i32
        %dma_wait3A_103 = tpu.memref_slice %arg13[%dma_wait3A_101, %dma_wait3A_102] : memref<10240x32xf32, #tpu.memory_space<vmem_shared>> -> memref<10240x32xf32, #tpu.memory_space<vmem_shared>>
        tpu.wait_indirect_dma semaphore(%run_scoped3A : memref<!tpu.dma_semaphore, #tpu.memory_space<semaphore_mem>>) src(%arg9 : memref<128x32xf32, #tpu.memory_space<vmem>>) dst(%dma_wait3A_103 : memref<10240x32xf32, #tpu.memory_space<vmem_shared>>)
        tpu.yield
      }) : () -> ()
      %dma_wait3A_75 = arith.constant 0 : i32
      %dma_wait3A_76 = tpu.memref_slice %arg6[%add3A_45, %dma_wait3A_75] : memref<80x128xi32, #tpu.memory_space<vmem>> -> memref<1x128xi32, #tpu.memory_space<vmem>>
      %dma_wait3A_77 = tpu.memref_squeeze %dma_wait3A_76 : memref<1x128xi32, #tpu.memory_space<vmem>> -> memref<128xi32, #tpu.memory_space<vmem>>
      %dma_wait3A_78 = arith.constant 0 : i32
      %dma_wait3A_79 = arith.constant 0 : i32
      %dma_wait3A_80 = tpu.memref_slice %arg4[%dma_wait3A_78, %dma_wait3A_79] : memref<10240x32xf32, #tpu.memory_space<hbm>> -> memref<10240x32xf32, #tpu.memory_space<hbm>>
      tpu.wait_indirect_dma semaphore(%arg16 : memref<!tpu.dma_semaphore, #tpu.memory_space<semaphore_mem>>) src(%dma_wait3A_80 : memref<10240x32xf32, #tpu.memory_space<hbm>>) dst(%arg10 : memref<128x32xf32, #tpu.memory_space<vmem>>)
      %add3A_81 = arith.constant 2 : i32
      %add3A_82 = arith.addi %mul3A_28, %add3A_81 : i32
      "tpu.region"() ({
        %run_scoped3A = tpu.sem_alloc : memref<!tpu.dma_semaphore, #tpu.memory_space<semaphore_mem>>
        %dma_start3A_92 = arith.constant 0 : i32
        %dma_start3A_93 = tpu.memref_slice %arg7[%add3A_82, %dma_start3A_92] : memref<80x128xi32, #tpu.memory_space<vmem>> -> memref<1x128xi32, #tpu.memory_space<vmem>>
        %dma_start3A_94 = tpu.memref_squeeze %dma_start3A_93 : memref<1x128xi32, #tpu.memory_space<vmem>> -> memref<128xi32, #tpu.memory_space<vmem>>
        %dma_start3A_95 = arith.constant 0 : i32
        %dma_start3A_96 = arith.constant 0 : i32
        %dma_start3A_97 = tpu.memref_slice %arg13[%dma_start3A_95, %dma_start3A_96] : memref<10240x32xf32, #tpu.memory_space<vmem_shared>> -> memref<10240x32xf32, #tpu.memory_space<vmem_shared>>
        tpu.enqueue_indirect_dma source(%arg10 : memref<128x32xf32, #tpu.memory_space<vmem>>) target(%dma_start3A_97 : memref<10240x32xf32, #tpu.memory_space<vmem_shared>>) offsets(%dma_start3A_94 : memref<128xi32, #tpu.memory_space<vmem>>) semaphore(%run_scoped3A : memref<!tpu.dma_semaphore, #tpu.memory_space<semaphore_mem>>) {add = true}
        %dma_wait3A_98 = arith.constant 0 : i32
        %dma_wait3A_99 = tpu.memref_slice %arg7[%add3A_82, %dma_wait3A_98] : memref<80x128xi32, #tpu.memory_space<vmem>> -> memref<1x128xi32, #tpu.memory_space<vmem>>
        %dma_wait3A_100 = tpu.memref_squeeze %dma_wait3A_99 : memref<1x128xi32, #tpu.memory_space<vmem>> -> memref<128xi32, #tpu.memory_space<vmem>>
        %dma_wait3A_101 = arith.constant 0 : i32
        %dma_wait3A_102 = arith.constant 0 : i32
        %dma_wait3A_103 = tpu.memref_slice %arg13[%dma_wait3A_101, %dma_wait3A_102] : memref<10240x32xf32, #tpu.memory_space<vmem_shared>> -> memref<10240x32xf32, #tpu.memory_space<vmem_shared>>
        tpu.wait_indirect_dma semaphore(%run_scoped3A : memref<!tpu.dma_semaphore, #tpu.memory_space<semaphore_mem>>) src(%arg10 : memref<128x32xf32, #tpu.memory_space<vmem>>) dst(%dma_wait3A_103 : memref<10240x32xf32, #tpu.memory_space<vmem_shared>>)
        tpu.yield
      }) : () -> ()
      %dma_wait3A_83 = arith.constant 0 : i32
      %dma_wait3A_84 = tpu.memref_slice %arg6[%add3A_53, %dma_wait3A_83] : memref<80x128xi32, #tpu.memory_space<vmem>> -> memref<1x128xi32, #tpu.memory_space<vmem>>
      %dma_wait3A_85 = tpu.memref_squeeze %dma_wait3A_84 : memref<1x128xi32, #tpu.memory_space<vmem>> -> memref<128xi32, #tpu.memory_space<vmem>>
      %dma_wait3A_86 = arith.constant 0 : i32
      %dma_wait3A_87 = arith.constant 0 : i32
      %dma_wait3A_88 = tpu.memref_slice %arg4[%dma_wait3A_86, %dma_wait3A_87] : memref<10240x32xf32, #tpu.memory_space<hbm>> -> memref<10240x32xf32, #tpu.memory_space<hbm>>
      tpu.wait_indirect_dma semaphore(%arg17 : memref<!tpu.dma_semaphore, #tpu.memory_space<semaphore_mem>>) src(%dma_wait3A_88 : memref<10240x32xf32, #tpu.memory_space<hbm>>) dst(%arg11 : memref<128x32xf32, #tpu.memory_space<vmem>>)
      %add3A_89 = arith.constant 3 : i32
      %add3A_90 = arith.addi %mul3A_28, %add3A_89 : i32
      "tpu.region"() ({
        %run_scoped3A = tpu.sem_alloc : memref<!tpu.dma_semaphore, #tpu.memory_space<semaphore_mem>>
        %dma_start3A_92 = arith.constant 0 : i32
        %dma_start3A_93 = tpu.memref_slice %arg7[%add3A_90, %dma_start3A_92] : memref<80x128xi32, #tpu.memory_space<vmem>> -> memref<1x128xi32, #tpu.memory_space<vmem>>
        %dma_start3A_94 = tpu.memref_squeeze %dma_start3A_93 : memref<1x128xi32, #tpu.memory_space<vmem>> -> memref<128xi32, #tpu.memory_space<vmem>>
        %dma_start3A_95 = arith.constant 0 : i32
        %dma_start3A_96 = arith.constant 0 : i32
        %dma_start3A_97 = tpu.memref_slice %arg13[%dma_start3A_95, %dma_start3A_96] : memref<10240x32xf32, #tpu.memory_space<vmem_shared>> -> memref<10240x32xf32, #tpu.memory_space<vmem_shared>>
        tpu.enqueue_indirect_dma source(%arg11 : memref<128x32xf32, #tpu.memory_space<vmem>>) target(%dma_start3A_97 : memref<10240x32xf32, #tpu.memory_space<vmem_shared>>) offsets(%dma_start3A_94 : memref<128xi32, #tpu.memory_space<vmem>>) semaphore(%run_scoped3A : memref<!tpu.dma_semaphore, #tpu.memory_space<semaphore_mem>>) {add = true}
        %dma_wait3A_98 = arith.constant 0 : i32
        %dma_wait3A_99 = tpu.memref_slice %arg7[%add3A_90, %dma_wait3A_98] : memref<80x128xi32, #tpu.memory_space<vmem>> -> memref<1x128xi32, #tpu.memory_space<vmem>>
        %dma_wait3A_100 = tpu.memref_squeeze %dma_wait3A_99 : memref<1x128xi32, #tpu.memory_space<vmem>> -> memref<128xi32, #tpu.memory_space<vmem>>
        %dma_wait3A_101 = arith.constant 0 : i32
        %dma_wait3A_102 = arith.constant 0 : i32
        %dma_wait3A_103 = tpu.memref_slice %arg13[%dma_wait3A_101, %dma_wait3A_102] : memref<10240x32xf32, #tpu.memory_space<vmem_shared>> -> memref<10240x32xf32, #tpu.memory_space<vmem_shared>>
        tpu.wait_indirect_dma semaphore(%run_scoped3A : memref<!tpu.dma_semaphore, #tpu.memory_space<semaphore_mem>>) src(%arg11 : memref<128x32xf32, #tpu.memory_space<vmem>>) dst(%dma_wait3A_103 : memref<10240x32xf32, #tpu.memory_space<vmem_shared>>)
        tpu.yield
      }) : () -> ()
      %scan3A_91 = arith.constant 0 : i32
      scf.yield %scan3A_91 : i32
    }
    %scan3A_19 = arith.constant 20 : i32
    %barrier3A_20 = arith.constant 0 : index
    tpu.barrier barrier_id(%barrier3A_20)
    %mul3A_21 = arith.constant 640 : i32
    %mul3A_22 = arith.muli %arg1, %mul3A_21 : i32
    %mul3A_23 = arith.constant 640 : i32
    %mul3A_24 = arith.muli %arg1, %mul3A_23 : i32
    "tpu.region"() ({
      %run_scoped3A = tpu.sem_alloc : memref<!tpu.dma_semaphore, #tpu.memory_space<semaphore_mem>>
      %dma_start3A = arith.constant 0 : i32
      %dma_start3A_25 = tpu.memref_slice %arg5[%arg0, %mul3A_24, %dma_start3A] : memref<2x10240x32xf32, #tpu.memory_space<hbm>> -> memref<1x640x32xf32, #tpu.memory_space<hbm>>
      %dma_start3A_26 = tpu.memref_squeeze %dma_start3A_25 : memref<1x640x32xf32, #tpu.memory_space<hbm>> -> memref<640x32xf32, #tpu.memory_space<hbm>>
      %dma_start3A_27 = arith.constant 0 : i32
      %dma_start3A_28 = tpu.memref_slice %arg13[%mul3A_22, %dma_start3A_27] : memref<10240x32xf32, #tpu.memory_space<vmem_shared>> -> memref<640x32xf32, #tpu.memory_space<vmem_shared>>
      tpu.enqueue_dma source(%dma_start3A_28 : memref<640x32xf32, #tpu.memory_space<vmem_shared>>) target(%dma_start3A_26 : memref<640x32xf32, #tpu.memory_space<hbm>>) target_semaphore(%run_scoped3A : memref<!tpu.dma_semaphore, #tpu.memory_space<semaphore_mem>>)
      %dma_wait3A = arith.constant 0 : i32
      %dma_wait3A_29 = tpu.memref_slice %arg5[%arg0, %mul3A_24, %dma_wait3A] : memref<2x10240x32xf32, #tpu.memory_space<hbm>> -> memref<1x640x32xf32, #tpu.memory_space<hbm>>
      %dma_wait3A_30 = tpu.memref_squeeze %dma_wait3A_29 : memref<1x640x32xf32, #tpu.memory_space<hbm>> -> memref<640x32xf32, #tpu.memory_space<hbm>>
      %dma_wait3A_31 = arith.constant 0 : i32
      %dma_wait3A_32 = tpu.memref_slice %arg13[%mul3A_22, %dma_wait3A_31] : memref<10240x32xf32, #tpu.memory_space<vmem_shared>> -> memref<640x32xf32, #tpu.memory_space<vmem_shared>>
      tpu.wait_dma2 semaphore(%run_scoped3A : memref<!tpu.dma_semaphore, #tpu.memory_space<semaphore_mem>>) src(%dma_wait3A_32 : memref<640x32xf32, #tpu.memory_space<vmem_shared>>) dst(%dma_wait3A_30 : memref<640x32xf32, #tpu.memory_space<hbm>>)
      tpu.yield
    }) : () -> ()
    return
  }
}

#map = affine_map<(d0, d1) -> (0, 0)>
#map1 = affine_map<(d0, d1) -> (0, 0, 0)>
module attributes {stable_mosaic.version = 14 : i64} {
  func.func @_sc_conv(%arg0: i32, %arg1: i32, %arg2: memref<2560x128xi32, #tpu.memory_space<hbm>>, %arg3: memref<2560x128xi32, #tpu.memory_space<hbm>>, %arg4: memref<10240x32xf32, #tpu.memory_space<hbm>>, %arg5: memref<2x10240x32xf32, #tpu.memory_space<hbm>>, %arg6: memref<80x128xi32, #tpu.memory_space<vmem>>, %arg7: memref<80x128xi32, #tpu.memory_space<vmem>>, %arg8: memref<128x32xf32, #tpu.memory_space<vmem>>, %arg9: memref<128x32xf32, #tpu.memory_space<vmem>>, %arg10: memref<128x32xf32, #tpu.memory_space<vmem>>, %arg11: memref<128x32xf32, #tpu.memory_space<vmem>>, %arg12: memref<640x32xf32, #tpu.memory_space<vmem>>, %arg13: memref<10240x32xf32, #tpu.memory_space<vmem_shared>>, %arg14: memref<!tpu.dma_semaphore, #tpu.memory_space<semaphore_mem>>, %arg15: memref<!tpu.dma_semaphore, #tpu.memory_space<semaphore_mem>>, %arg16: memref<!tpu.dma_semaphore, #tpu.memory_space<semaphore_mem>>, %arg17: memref<!tpu.dma_semaphore, #tpu.memory_space<semaphore_mem>>) attributes {dimension_semantics = [#tpu.dimension_semantics<core_parallel>, #tpu.dimension_semantics<subcore_parallel>], iteration_bounds = array<i64: 2, 16>, scalar_prefetch = 0 : i64, scratch_operands = 12 : i64, tpu.core_type = #tpu.core_type<sc_vector_subcore>, window_params = [{transform_indices = #map}, {transform_indices = #map}, {transform_indices = #map}, {transform_indices = #map1}]} {
    %mul3A = arith.constant 16 : i32
    %mul3A_0 = arith.muli %arg0, %mul3A : i32
    %add3A = arith.addi %mul3A_0, %arg1 : i32
    %scan3A = arith.constant 0 : i32
    %scan3A_1 = arith.constant 0 : i32
    %scan3A_2 = arith.constant 640 : i32
    %scan3A_3 = arith.addi %scan3A_1, %scan3A_2 : i32
    %scan3A_4 = arith.constant 1 : i32
    %scan3A_5 = scf.for %scan3A_25 = %scan3A_1 to %scan3A_3 step %scan3A_4 iter_args(%scan3A_26 = %scan3A) -> (i32)  : i32 {
      %broadcast_in_dim3A = arith.constant 0.000000e+00 : f32
      %broadcast_in_dim3A_27 = vector.broadcast %broadcast_in_dim3A : f32 to vector<16xf32>
      %swap3A = arith.index_cast %scan3A_25 : i32 to index
      %swap3A_28 = arith.constant 0 : index
      %swap3A_29 = tpu.vector_load %arg12[%swap3A, %swap3A_28] {strides = array<i32>} : memref<640x32xf32, #tpu.memory_space<vmem>>, vector<16xf32>,
      tpu.vector_store %arg12[%swap3A, %swap3A_28], %broadcast_in_dim3A_27 {strides = array<i32>} : memref<640x32xf32, #tpu.memory_space<vmem>>, vector<16xf32>,
      %broadcast_in_dim3A_30 = arith.constant 0.000000e+00 : f32
      %broadcast_in_dim3A_31 = vector.broadcast %broadcast_in_dim3A_30 : f32 to vector<16xf32>
      %swap3A_32 = arith.index_cast %scan3A_25 : i32 to index
      %swap3A_33 = arith.constant 16 : index
      %swap3A_34 = tpu.vector_load %arg12[%swap3A_32, %swap3A_33] {strides = array<i32>} : memref<640x32xf32, #tpu.memory_space<vmem>>, vector<16xf32>,
      tpu.vector_store %arg12[%swap3A_32, %swap3A_33], %broadcast_in_dim3A_31 {strides = array<i32>} : memref<640x32xf32, #tpu.memory_space<vmem>>, vector<16xf32>,
      %scan3A_35 = arith.constant 0 : i32
      scf.yield %scan3A_35 : i32
    }
    %scan3A_6 = arith.constant 640 : i32
    %mul3A_7 = arith.constant 640 : i32
    %mul3A_8 = arith.muli %arg1, %mul3A_7 : i32
    "tpu.region"() ({
      %run_scoped3A = tpu.sem_alloc : memref<!tpu.dma_semaphore, #tpu.memory_space<semaphore_mem>>
      %dma_start3A = arith.constant 0 : i32
      %dma_start3A_25 = tpu.memref_slice %arg13[%mul3A_8, %dma_start3A] : memref<10240x32xf32, #tpu.memory_space<vmem_shared>> -> memref<640x32xf32, #tpu.memory_space<vmem_shared>>
      %dma_start3A_26 = arith.constant 0 : i32
      %dma_start3A_27 = tpu.memref_slice %arg13[%mul3A_8, %dma_start3A_26] : memref<10240x32xf32, #tpu.memory_space<vmem_shared>> -> memref<640x32xf32, #tpu.memory_space<vmem_shared>>
      tpu.enqueue_dma source(%arg12 : memref<640x32xf32, #tpu.memory_space<vmem>>) target(%dma_start3A_27 : memref<640x32xf32, #tpu.memory_space<vmem_shared>>) target_semaphore(%run_scoped3A : memref<!tpu.dma_semaphore, #tpu.memory_space<semaphore_mem>>)
      %dma_wait3A = arith.constant 0 : i32
      %dma_wait3A_28 = tpu.memref_slice %arg13[%mul3A_8, %dma_wait3A] : memref<10240x32xf32, #tpu.memory_space<vmem_shared>> -> memref<640x32xf32, #tpu.memory_space<vmem_shared>>
      %dma_wait3A_29 = arith.constant 0 : i32
      %dma_wait3A_30 = tpu.memref_slice %arg13[%mul3A_8, %dma_wait3A_29] : memref<10240x32xf32, #tpu.memory_space<vmem_shared>> -> memref<640x32xf32, #tpu.memory_space<vmem_shared>>
      tpu.wait_dma2 semaphore(%run_scoped3A : memref<!tpu.dma_semaphore, #tpu.memory_space<semaphore_mem>>) src(%arg12 : memref<640x32xf32, #tpu.memory_space<vmem>>) dst(%dma_wait3A_30 : memref<640x32xf32, #tpu.memory_space<vmem_shared>>)
      tpu.yield
    }) : () -> ()
    %barrier3A = arith.constant 0 : index
    tpu.barrier barrier_id(%barrier3A)
    %mul3A_9 = arith.constant 80 : i32
    %mul3A_10 = arith.muli %add3A, %mul3A_9 : i32
    "tpu.region"() ({
      %run_scoped3A = tpu.sem_alloc : memref<!tpu.dma_semaphore, #tpu.memory_space<semaphore_mem>>
      %dma_start3A = arith.constant 0 : i32
      %dma_start3A_25 = tpu.memref_slice %arg2[%mul3A_10, %dma_start3A] : memref<2560x128xi32, #tpu.memory_space<hbm>> -> memref<80x128xi32, #tpu.memory_space<hbm>>
      %dma_start3A_26 = arith.constant 0 : i32
      %dma_start3A_27 = tpu.memref_slice %arg2[%mul3A_10, %dma_start3A_26] : memref<2560x128xi32, #tpu.memory_space<hbm>> -> memref<80x128xi32, #tpu.memory_space<hbm>>
      tpu.enqueue_dma source(%dma_start3A_27 : memref<80x128xi32, #tpu.memory_space<hbm>>) target(%arg6 : memref<80x128xi32, #tpu.memory_space<vmem>>) target_semaphore(%run_scoped3A : memref<!tpu.dma_semaphore, #tpu.memory_space<semaphore_mem>>)
      %dma_wait3A = arith.constant 0 : i32
      %dma_wait3A_28 = tpu.memref_slice %arg2[%mul3A_10, %dma_wait3A] : memref<2560x128xi32, #tpu.memory_space<hbm>> -> memref<80x128xi32, #tpu.memory_space<hbm>>
      %dma_wait3A_29 = arith.constant 0 : i32
      %dma_wait3A_30 = tpu.memref_slice %arg2[%mul3A_10, %dma_wait3A_29] : memref<2560x128xi32, #tpu.memory_space<hbm>> -> memref<80x128xi32, #tpu.memory_space<hbm>>
      tpu.wait_dma2 semaphore(%run_scoped3A : memref<!tpu.dma_semaphore, #tpu.memory_space<semaphore_mem>>) src(%dma_wait3A_30 : memref<80x128xi32, #tpu.memory_space<hbm>>) dst(%arg6 : memref<80x128xi32, #tpu.memory_space<vmem>>)
      tpu.yield
    }) : () -> ()
    %mul3A_11 = arith.constant 80 : i32
    %mul3A_12 = arith.muli %add3A, %mul3A_11 : i32
    "tpu.region"() ({
      %run_scoped3A = tpu.sem_alloc : memref<!tpu.dma_semaphore, #tpu.memory_space<semaphore_mem>>
      %dma_start3A = arith.constant 0 : i32
      %dma_start3A_25 = tpu.memref_slice %arg3[%mul3A_12, %dma_start3A] : memref<2560x128xi32, #tpu.memory_space<hbm>> -> memref<80x128xi32, #tpu.memory_space<hbm>>
      %dma_start3A_26 = arith.constant 0 : i32
      %dma_start3A_27 = tpu.memref_slice %arg3[%mul3A_12, %dma_start3A_26] : memref<2560x128xi32, #tpu.memory_space<hbm>> -> memref<80x128xi32, #tpu.memory_space<hbm>>
      tpu.enqueue_dma source(%dma_start3A_27 : memref<80x128xi32, #tpu.memory_space<hbm>>) target(%arg7 : memref<80x128xi32, #tpu.memory_space<vmem>>) target_semaphore(%run_scoped3A : memref<!tpu.dma_semaphore, #tpu.memory_space<semaphore_mem>>)
      %dma_wait3A = arith.constant 0 : i32
      %dma_wait3A_28 = tpu.memref_slice %arg3[%mul3A_12, %dma_wait3A] : memref<2560x128xi32, #tpu.memory_space<hbm>> -> memref<80x128xi32, #tpu.memory_space<hbm>>
      %dma_wait3A_29 = arith.constant 0 : i32
      %dma_wait3A_30 = tpu.memref_slice %arg3[%mul3A_12, %dma_wait3A_29] : memref<2560x128xi32, #tpu.memory_space<hbm>> -> memref<80x128xi32, #tpu.memory_space<hbm>>
      tpu.wait_dma2 semaphore(%run_scoped3A : memref<!tpu.dma_semaphore, #tpu.memory_space<semaphore_mem>>) src(%dma_wait3A_30 : memref<80x128xi32, #tpu.memory_space<hbm>>) dst(%arg7 : memref<80x128xi32, #tpu.memory_space<vmem>>)
      tpu.yield
    }) : () -> ()
    %scan3A_13 = arith.constant 0 : i32
    %scan3A_14 = arith.constant 0 : i32
    %scan3A_15 = arith.constant 20 : i32
    %scan3A_16 = arith.addi %scan3A_14, %scan3A_15 : i32
    %scan3A_17 = arith.constant 1 : i32
    %scan3A_18 = scf.for %scan3A_25 = %scan3A_14 to %scan3A_16 step %scan3A_17 iter_args(%scan3A_26 = %scan3A_13) -> (i32)  : i32 {
      %mul3A_27 = arith.constant 4 : i32
      %mul3A_28 = arith.muli %mul3A_27, %scan3A_25 : i32
      %add3A_29 = arith.constant 0 : i32
      %add3A_30 = arith.addi %mul3A_28, %add3A_29 : i32
      %dma_start3A = arith.constant 0 : i32
      %dma_start3A_31 = tpu.memref_slice %arg6[%add3A_30, %dma_start3A] : memref<80x128xi32, #tpu.memory_space<vmem>> -> memref<1x128xi32, #tpu.memory_space<vmem>>
      %dma_start3A_32 = tpu.memref_squeeze %dma_start3A_31 : memref<1x128xi32, #tpu.memory_space<vmem>> -> memref<128xi32, #tpu.memory_space<vmem>>
      %dma_start3A_33 = arith.constant 0 : i32
      %dma_start3A_34 = arith.constant 0 : i32
      %dma_start3A_35 = tpu.memref_slice %arg4[%dma_start3A_33, %dma_start3A_34] : memref<10240x32xf32, #tpu.memory_space<hbm>> -> memref<10240x32xf32, #tpu.memory_space<hbm>>
      tpu.enqueue_indirect_dma source(%dma_start3A_35 : memref<10240x32xf32, #tpu.memory_space<hbm>>) target(%arg8 : memref<128x32xf32, #tpu.memory_space<vmem>>) offsets(%dma_start3A_32 : memref<128xi32, #tpu.memory_space<vmem>>) semaphore(%arg14 : memref<!tpu.dma_semaphore, #tpu.memory_space<semaphore_mem>>)
      %add3A_36 = arith.constant 1 : i32
      %add3A_37 = arith.addi %mul3A_28, %add3A_36 : i32
      %dma_start3A_38 = arith.constant 0 : i32
      %dma_start3A_39 = tpu.memref_slice %arg6[%add3A_37, %dma_start3A_38] : memref<80x128xi32, #tpu.memory_space<vmem>> -> memref<1x128xi32, #tpu.memory_space<vmem>>
      %dma_start3A_40 = tpu.memref_squeeze %dma_start3A_39 : memref<1x128xi32, #tpu.memory_space<vmem>> -> memref<128xi32, #tpu.memory_space<vmem>>
      %dma_start3A_41 = arith.constant 0 : i32
      %dma_start3A_42 = arith.constant 0 : i32
      %dma_start3A_43 = tpu.memref_slice %arg4[%dma_start3A_41, %dma_start3A_42] : memref<10240x32xf32, #tpu.memory_space<hbm>> -> memref<10240x32xf32, #tpu.memory_space<hbm>>
      tpu.enqueue_indirect_dma source(%dma_start3A_43 : memref<10240x32xf32, #tpu.memory_space<hbm>>) target(%arg9 : memref<128x32xf32, #tpu.memory_space<vmem>>) offsets(%dma_start3A_40 : memref<128xi32, #tpu.memory_space<vmem>>) semaphore(%arg15 : memref<!tpu.dma_semaphore, #tpu.memory_space<semaphore_mem>>)
      %add3A_44 = arith.constant 2 : i32
      %add3A_45 = arith.addi %mul3A_28, %add3A_44 : i32
      %dma_start3A_46 = arith.constant 0 : i32
      %dma_start3A_47 = tpu.memref_slice %arg6[%add3A_45, %dma_start3A_46] : memref<80x128xi32, #tpu.memory_space<vmem>> -> memref<1x128xi32, #tpu.memory_space<vmem>>
      %dma_start3A_48 = tpu.memref_squeeze %dma_start3A_47 : memref<1x128xi32, #tpu.memory_space<vmem>> -> memref<128xi32, #tpu.memory_space<vmem>>
      %dma_start3A_49 = arith.constant 0 : i32
      %dma_start3A_50 = arith.constant 0 : i32
      %dma_start3A_51 = tpu.memref_slice %arg4[%dma_start3A_49, %dma_start3A_50] : memref<10240x32xf32, #tpu.memory_space<hbm>> -> memref<10240x32xf32, #tpu.memory_space<hbm>>
      tpu.enqueue_indirect_dma source(%dma_start3A_51 : memref<10240x32xf32, #tpu.memory_space<hbm>>) target(%arg10 : memref<128x32xf32, #tpu.memory_space<vmem>>) offsets(%dma_start3A_48 : memref<128xi32, #tpu.memory_space<vmem>>) semaphore(%arg16 : memref<!tpu.dma_semaphore, #tpu.memory_space<semaphore_mem>>)
      %add3A_52 = arith.constant 3 : i32
      %add3A_53 = arith.addi %mul3A_28, %add3A_52 : i32
      %dma_start3A_54 = arith.constant 0 : i32
      %dma_start3A_55 = tpu.memref_slice %arg6[%add3A_53, %dma_start3A_54] : memref<80x128xi32, #tpu.memory_space<vmem>> -> memref<1x128xi32, #tpu.memory_space<vmem>>
      %dma_start3A_56 = tpu.memref_squeeze %dma_start3A_55 : memref<1x128xi32, #tpu.memory_space<vmem>> -> memref<128xi32, #tpu.memory_space<vmem>>
      %dma_start3A_57 = arith.constant 0 : i32
      %dma_start3A_58 = arith.constant 0 : i32
      %dma_start3A_59 = tpu.memref_slice %arg4[%dma_start3A_57, %dma_start3A_58] : memref<10240x32xf32, #tpu.memory_space<hbm>> -> memref<10240x32xf32, #tpu.memory_space<hbm>>
      tpu.enqueue_indirect_dma source(%dma_start3A_59 : memref<10240x32xf32, #tpu.memory_space<hbm>>) target(%arg11 : memref<128x32xf32, #tpu.memory_space<vmem>>) offsets(%dma_start3A_56 : memref<128xi32, #tpu.memory_space<vmem>>) semaphore(%arg17 : memref<!tpu.dma_semaphore, #tpu.memory_space<semaphore_mem>>)
      %dma_wait3A = arith.constant 0 : i32
      %dma_wait3A_60 = tpu.memref_slice %arg6[%add3A_30, %dma_wait3A] : memref<80x128xi32, #tpu.memory_space<vmem>> -> memref<1x128xi32, #tpu.memory_space<vmem>>
      %dma_wait3A_61 = tpu.memref_squeeze %dma_wait3A_60 : memref<1x128xi32, #tpu.memory_space<vmem>> -> memref<128xi32, #tpu.memory_space<vmem>>
      %dma_wait3A_62 = arith.constant 0 : i32
      %dma_wait3A_63 = arith.constant 0 : i32
      %dma_wait3A_64 = tpu.memref_slice %arg4[%dma_wait3A_62, %dma_wait3A_63] : memref<10240x32xf32, #tpu.memory_space<hbm>> -> memref<10240x32xf32, #tpu.memory_space<hbm>>
      tpu.wait_indirect_dma semaphore(%arg14 : memref<!tpu.dma_semaphore, #tpu.memory_space<semaphore_mem>>) src(%dma_wait3A_64 : memref<10240x32xf32, #tpu.memory_space<hbm>>) dst(%arg8 : memref<128x32xf32, #tpu.memory_space<vmem>>)
      %add3A_65 = arith.constant 0 : i32
      %add3A_66 = arith.addi %mul3A_28, %add3A_65 : i32
      "tpu.region"() ({
        %run_scoped3A = tpu.sem_alloc : memref<!tpu.dma_semaphore, #tpu.memory_space<semaphore_mem>>
        %dma_start3A_92 = arith.constant 0 : i32
        %dma_start3A_93 = tpu.memref_slice %arg7[%add3A_66, %dma_start3A_92] : memref<80x128xi32, #tpu.memory_space<vmem>> -> memref<1x128xi32, #tpu.memory_space<vmem>>
        %dma_start3A_94 = tpu.memref_squeeze %dma_start3A_93 : memref<1x128xi32, #tpu.memory_space<vmem>> -> memref<128xi32, #tpu.memory_space<vmem>>
        %dma_start3A_95 = arith.constant 0 : i32
        %dma_start3A_96 = arith.constant 0 : i32
        %dma_start3A_97 = tpu.memref_slice %arg13[%dma_start3A_95, %dma_start3A_96] : memref<10240x32xf32, #tpu.memory_space<vmem_shared>> -> memref<10240x32xf32, #tpu.memory_space<vmem_shared>>
        tpu.enqueue_indirect_dma source(%arg8 : memref<128x32xf32, #tpu.memory_space<vmem>>) target(%dma_start3A_97 : memref<10240x32xf32, #tpu.memory_space<vmem_shared>>) offsets(%dma_start3A_94 : memref<128xi32, #tpu.memory_space<vmem>>) semaphore(%run_scoped3A : memref<!tpu.dma_semaphore, #tpu.memory_space<semaphore_mem>>) {add = true}
        %dma_wait3A_98 = arith.constant 0 : i32
        %dma_wait3A_99 = tpu.memref_slice %arg7[%add3A_66, %dma_wait3A_98] : memref<80x128xi32, #tpu.memory_space<vmem>> -> memref<1x128xi32, #tpu.memory_space<vmem>>
        %dma_wait3A_100 = tpu.memref_squeeze %dma_wait3A_99 : memref<1x128xi32, #tpu.memory_space<vmem>> -> memref<128xi32, #tpu.memory_space<vmem>>
        %dma_wait3A_101 = arith.constant 0 : i32
        %dma_wait3A_102 = arith.constant 0 : i32
        %dma_wait3A_103 = tpu.memref_slice %arg13[%dma_wait3A_101, %dma_wait3A_102] : memref<10240x32xf32, #tpu.memory_space<vmem_shared>> -> memref<10240x32xf32, #tpu.memory_space<vmem_shared>>
        tpu.wait_indirect_dma semaphore(%run_scoped3A : memref<!tpu.dma_semaphore, #tpu.memory_space<semaphore_mem>>) src(%arg8 : memref<128x32xf32, #tpu.memory_space<vmem>>) dst(%dma_wait3A_103 : memref<10240x32xf32, #tpu.memory_space<vmem_shared>>)
        tpu.yield
      }) : () -> ()
      %dma_wait3A_67 = arith.constant 0 : i32
      %dma_wait3A_68 = tpu.memref_slice %arg6[%add3A_37, %dma_wait3A_67] : memref<80x128xi32, #tpu.memory_space<vmem>> -> memref<1x128xi32, #tpu.memory_space<vmem>>
      %dma_wait3A_69 = tpu.memref_squeeze %dma_wait3A_68 : memref<1x128xi32, #tpu.memory_space<vmem>> -> memref<128xi32, #tpu.memory_space<vmem>>
      %dma_wait3A_70 = arith.constant 0 : i32
      %dma_wait3A_71 = arith.constant 0 : i32
      %dma_wait3A_72 = tpu.memref_slice %arg4[%dma_wait3A_70, %dma_wait3A_71] : memref<10240x32xf32, #tpu.memory_space<hbm>> -> memref<10240x32xf32, #tpu.memory_space<hbm>>
      tpu.wait_indirect_dma semaphore(%arg15 : memref<!tpu.dma_semaphore, #tpu.memory_space<semaphore_mem>>) src(%dma_wait3A_72 : memref<10240x32xf32, #tpu.memory_space<hbm>>) dst(%arg9 : memref<128x32xf32, #tpu.memory_space<vmem>>)
      %add3A_73 = arith.constant 1 : i32
      %add3A_74 = arith.addi %mul3A_28, %add3A_73 : i32
      "tpu.region"() ({
        %run_scoped3A = tpu.sem_alloc : memref<!tpu.dma_semaphore, #tpu.memory_space<semaphore_mem>>
        %dma_start3A_92 = arith.constant 0 : i32
        %dma_start3A_93 = tpu.memref_slice %arg7[%add3A_74, %dma_start3A_92] : memref<80x128xi32, #tpu.memory_space<vmem>> -> memref<1x128xi32, #tpu.memory_space<vmem>>
        %dma_start3A_94 = tpu.memref_squeeze %dma_start3A_93 : memref<1x128xi32, #tpu.memory_space<vmem>> -> memref<128xi32, #tpu.memory_space<vmem>>
        %dma_start3A_95 = arith.constant 0 : i32
        %dma_start3A_96 = arith.constant 0 : i32
        %dma_start3A_97 = tpu.memref_slice %arg13[%dma_start3A_95, %dma_start3A_96] : memref<10240x32xf32, #tpu.memory_space<vmem_shared>> -> memref<10240x32xf32, #tpu.memory_space<vmem_shared>>
        tpu.enqueue_indirect_dma source(%arg9 : memref<128x32xf32, #tpu.memory_space<vmem>>) target(%dma_start3A_97 : memref<10240x32xf32, #tpu.memory_space<vmem_shared>>) offsets(%dma_start3A_94 : memref<128xi32, #tpu.memory_space<vmem>>) semaphore(%run_scoped3A : memref<!tpu.dma_semaphore, #tpu.memory_space<semaphore_mem>>) {add = true}
        %dma_wait3A_98 = arith.constant 0 : i32
        %dma_wait3A_99 = tpu.memref_slice %arg7[%add3A_74, %dma_wait3A_98] : memref<80x128xi32, #tpu.memory_space<vmem>> -> memref<1x128xi32, #tpu.memory_space<vmem>>
        %dma_wait3A_100 = tpu.memref_squeeze %dma_wait3A_99 : memref<1x128xi32, #tpu.memory_space<vmem>> -> memref<128xi32, #tpu.memory_space<vmem>>
        %dma_wait3A_101 = arith.constant 0 : i32
        %dma_wait3A_102 = arith.constant 0 : i32
        %dma_wait3A_103 = tpu.memref_slice %arg13[%dma_wait3A_101, %dma_wait3A_102] : memref<10240x32xf32, #tpu.memory_space<vmem_shared>> -> memref<10240x32xf32, #tpu.memory_space<vmem_shared>>
        tpu.wait_indirect_dma semaphore(%run_scoped3A : memref<!tpu.dma_semaphore, #tpu.memory_space<semaphore_mem>>) src(%arg9 : memref<128x32xf32, #tpu.memory_space<vmem>>) dst(%dma_wait3A_103 : memref<10240x32xf32, #tpu.memory_space<vmem_shared>>)
        tpu.yield
      }) : () -> ()
      %dma_wait3A_75 = arith.constant 0 : i32
      %dma_wait3A_76 = tpu.memref_slice %arg6[%add3A_45, %dma_wait3A_75] : memref<80x128xi32, #tpu.memory_space<vmem>> -> memref<1x128xi32, #tpu.memory_space<vmem>>
      %dma_wait3A_77 = tpu.memref_squeeze %dma_wait3A_76 : memref<1x128xi32, #tpu.memory_space<vmem>> -> memref<128xi32, #tpu.memory_space<vmem>>
      %dma_wait3A_78 = arith.constant 0 : i32
      %dma_wait3A_79 = arith.constant 0 : i32
      %dma_wait3A_80 = tpu.memref_slice %arg4[%dma_wait3A_78, %dma_wait3A_79] : memref<10240x32xf32, #tpu.memory_space<hbm>> -> memref<10240x32xf32, #tpu.memory_space<hbm>>
      tpu.wait_indirect_dma semaphore(%arg16 : memref<!tpu.dma_semaphore, #tpu.memory_space<semaphore_mem>>) src(%dma_wait3A_80 : memref<10240x32xf32, #tpu.memory_space<hbm>>) dst(%arg10 : memref<128x32xf32, #tpu.memory_space<vmem>>)
      %add3A_81 = arith.constant 2 : i32
      %add3A_82 = arith.addi %mul3A_28, %add3A_81 : i32
      "tpu.region"() ({
        %run_scoped3A = tpu.sem_alloc : memref<!tpu.dma_semaphore, #tpu.memory_space<semaphore_mem>>
        %dma_start3A_92 = arith.constant 0 : i32
        %dma_start3A_93 = tpu.memref_slice %arg7[%add3A_82, %dma_start3A_92] : memref<80x128xi32, #tpu.memory_space<vmem>> -> memref<1x128xi32, #tpu.memory_space<vmem>>
        %dma_start3A_94 = tpu.memref_squeeze %dma_start3A_93 : memref<1x128xi32, #tpu.memory_space<vmem>> -> memref<128xi32, #tpu.memory_space<vmem>>
        %dma_start3A_95 = arith.constant 0 : i32
        %dma_start3A_96 = arith.constant 0 : i32
        %dma_start3A_97 = tpu.memref_slice %arg13[%dma_start3A_95, %dma_start3A_96] : memref<10240x32xf32, #tpu.memory_space<vmem_shared>> -> memref<10240x32xf32, #tpu.memory_space<vmem_shared>>
        tpu.enqueue_indirect_dma source(%arg10 : memref<128x32xf32, #tpu.memory_space<vmem>>) target(%dma_start3A_97 : memref<10240x32xf32, #tpu.memory_space<vmem_shared>>) offsets(%dma_start3A_94 : memref<128xi32, #tpu.memory_space<vmem>>) semaphore(%run_scoped3A : memref<!tpu.dma_semaphore, #tpu.memory_space<semaphore_mem>>) {add = true}
        %dma_wait3A_98 = arith.constant 0 : i32
        %dma_wait3A_99 = tpu.memref_slice %arg7[%add3A_82, %dma_wait3A_98] : memref<80x128xi32, #tpu.memory_space<vmem>> -> memref<1x128xi32, #tpu.memory_space<vmem>>
        %dma_wait3A_100 = tpu.memref_squeeze %dma_wait3A_99 : memref<1x128xi32, #tpu.memory_space<vmem>> -> memref<128xi32, #tpu.memory_space<vmem>>
        %dma_wait3A_101 = arith.constant 0 : i32
        %dma_wait3A_102 = arith.constant 0 : i32
        %dma_wait3A_103 = tpu.memref_slice %arg13[%dma_wait3A_101, %dma_wait3A_102] : memref<10240x32xf32, #tpu.memory_space<vmem_shared>> -> memref<10240x32xf32, #tpu.memory_space<vmem_shared>>
        tpu.wait_indirect_dma semaphore(%run_scoped3A : memref<!tpu.dma_semaphore, #tpu.memory_space<semaphore_mem>>) src(%arg10 : memref<128x32xf32, #tpu.memory_space<vmem>>) dst(%dma_wait3A_103 : memref<10240x32xf32, #tpu.memory_space<vmem_shared>>)
        tpu.yield
      }) : () -> ()
      %dma_wait3A_83 = arith.constant 0 : i32
      %dma_wait3A_84 = tpu.memref_slice %arg6[%add3A_53, %dma_wait3A_83] : memref<80x128xi32, #tpu.memory_space<vmem>> -> memref<1x128xi32, #tpu.memory_space<vmem>>
      %dma_wait3A_85 = tpu.memref_squeeze %dma_wait3A_84 : memref<1x128xi32, #tpu.memory_space<vmem>> -> memref<128xi32, #tpu.memory_space<vmem>>
      %dma_wait3A_86 = arith.constant 0 : i32
      %dma_wait3A_87 = arith.constant 0 : i32
      %dma_wait3A_88 = tpu.memref_slice %arg4[%dma_wait3A_86, %dma_wait3A_87] : memref<10240x32xf32, #tpu.memory_space<hbm>> -> memref<10240x32xf32, #tpu.memory_space<hbm>>
      tpu.wait_indirect_dma semaphore(%arg17 : memref<!tpu.dma_semaphore, #tpu.memory_space<semaphore_mem>>) src(%dma_wait3A_88 : memref<10240x32xf32, #tpu.memory_space<hbm>>) dst(%arg11 : memref<128x32xf32, #tpu.memory_space<vmem>>)
      %add3A_89 = arith.constant 3 : i32
      %add3A_90 = arith.addi %mul3A_28, %add3A_89 : i32
      "tpu.region"() ({
        %run_scoped3A = tpu.sem_alloc : memref<!tpu.dma_semaphore, #tpu.memory_space<semaphore_mem>>
        %dma_start3A_92 = arith.constant 0 : i32
        %dma_start3A_93 = tpu.memref_slice %arg7[%add3A_90, %dma_start3A_92] : memref<80x128xi32, #tpu.memory_space<vmem>> -> memref<1x128xi32, #tpu.memory_space<vmem>>
        %dma_start3A_94 = tpu.memref_squeeze %dma_start3A_93 : memref<1x128xi32, #tpu.memory_space<vmem>> -> memref<128xi32, #tpu.memory_space<vmem>>
        %dma_start3A_95 = arith.constant 0 : i32
        %dma_start3A_96 = arith.constant 0 : i32
        %dma_start3A_97 = tpu.memref_slice %arg13[%dma_start3A_95, %dma_start3A_96] : memref<10240x32xf32, #tpu.memory_space<vmem_shared>> -> memref<10240x32xf32, #tpu.memory_space<vmem_shared>>
        tpu.enqueue_indirect_dma source(%arg11 : memref<128x32xf32, #tpu.memory_space<vmem>>) target(%dma_start3A_97 : memref<10240x32xf32, #tpu.memory_space<vmem_shared>>) offsets(%dma_start3A_94 : memref<128xi32, #tpu.memory_space<vmem>>) semaphore(%run_scoped3A : memref<!tpu.dma_semaphore, #tpu.memory_space<semaphore_mem>>) {add = true}
        %dma_wait3A_98 = arith.constant 0 : i32
        %dma_wait3A_99 = tpu.memref_slice %arg7[%add3A_90, %dma_wait3A_98] : memref<80x128xi32, #tpu.memory_space<vmem>> -> memref<1x128xi32, #tpu.memory_space<vmem>>
        %dma_wait3A_100 = tpu.memref_squeeze %dma_wait3A_99 : memref<1x128xi32, #tpu.memory_space<vmem>> -> memref<128xi32, #tpu.memory_space<vmem>>
        %dma_wait3A_101 = arith.constant 0 : i32
        %dma_wait3A_102 = arith.constant 0 : i32
        %dma_wait3A_103 = tpu.memref_slice %arg13[%dma_wait3A_101, %dma_wait3A_102] : memref<10240x32xf32, #tpu.memory_space<vmem_shared>> -> memref<10240x32xf32, #tpu.memory_space<vmem_shared>>
        tpu.wait_indirect_dma semaphore(%run_scoped3A : memref<!tpu.dma_semaphore, #tpu.memory_space<semaphore_mem>>) src(%arg11 : memref<128x32xf32, #tpu.memory_space<vmem>>) dst(%dma_wait3A_103 : memref<10240x32xf32, #tpu.memory_space<vmem_shared>>)
        tpu.yield
      }) : () -> ()
      %scan3A_91 = arith.constant 0 : i32
      scf.yield %scan3A_91 : i32
    }
    %scan3A_19 = arith.constant 20 : i32
    %barrier3A_20 = arith.constant 0 : index
    tpu.barrier barrier_id(%barrier3A_20)
    %mul3A_21 = arith.constant 640 : i32
    %mul3A_22 = arith.muli %arg1, %mul3A_21 : i32
    %mul3A_23 = arith.constant 640 : i32
    %mul3A_24 = arith.muli %arg1, %mul3A_23 : i32
    "tpu.region"() ({
      %run_scoped3A = tpu.sem_alloc : memref<!tpu.dma_semaphore, #tpu.memory_space<semaphore_mem>>
      %dma_start3A = arith.constant 0 : i32
      %dma_start3A_25 = tpu.memref_slice %arg5[%arg0, %mul3A_24, %dma_start3A] : memref<2x10240x32xf32, #tpu.memory_space<hbm>> -> memref<1x640x32xf32, #tpu.memory_space<hbm>>
      %dma_start3A_26 = tpu.memref_squeeze %dma_start3A_25 : memref<1x640x32xf32, #tpu.memory_space<hbm>> -> memref<640x32xf32, #tpu.memory_space<hbm>>
      %dma_start3A_27 = arith.constant 0 : i32
      %dma_start3A_28 = tpu.memref_slice %arg13[%mul3A_22, %dma_start3A_27] : memref<10240x32xf32, #tpu.memory_space<vmem_shared>> -> memref<640x32xf32, #tpu.memory_space<vmem_shared>>
      tpu.enqueue_dma source(%dma_start3A_28 : memref<640x32xf32, #tpu.memory_space<vmem_shared>>) target(%dma_start3A_26 : memref<640x32xf32, #tpu.memory_space<hbm>>) target_semaphore(%run_scoped3A : memref<!tpu.dma_semaphore, #tpu.memory_space<semaphore_mem>>)
      %dma_wait3A = arith.constant 0 : i32
      %dma_wait3A_29 = tpu.memref_slice %arg5[%arg0, %mul3A_24, %dma_wait3A] : memref<2x10240x32xf32, #tpu.memory_space<hbm>> -> memref<1x640x32xf32, #tpu.memory_space<hbm>>
      %dma_wait3A_30 = tpu.memref_squeeze %dma_wait3A_29 : memref<1x640x32xf32, #tpu.memory_space<hbm>> -> memref<640x32xf32, #tpu.memory_space<hbm>>
      %dma_wait3A_31 = arith.constant 0 : i32
      %dma_wait3A_32 = tpu.memref_slice %arg13[%mul3A_22, %dma_wait3A_31] : memref<10240x32xf32, #tpu.memory_space<vmem_shared>> -> memref<640x32xf32, #tpu.memory_space<vmem_shared>>
      tpu.wait_dma2 semaphore(%run_scoped3A : memref<!tpu.dma_semaphore, #tpu.memory_space<semaphore_mem>>) src(%dma_wait3A_32 : memref<640x32xf32, #tpu.memory_space<vmem_shared>>) dst(%dma_wait3A_30 : memref<640x32xf32, #tpu.memory_space<hbm>>)
      tpu.yield
    }) : () -> ()
    return
  }
}

module attributes {stable_mosaic.version = 14 : i64} {
  func.func @_tc_a(%arg0: i32, %arg1: memref<2048x128xf32, #tpu.memory_space<vmem>>, %arg2: memref<128x32xf32, #tpu.memory_space<vmem>>, %arg3: memref<32x2048xf32, #tpu.memory_space<vmem>>, %arg4: memref<2048x32xf32, #tpu.memory_space<vmem>>, %arg5: memref<2048x32xf32, #tpu.memory_space<vmem>>, %arg6: memref<2048x1xf32, #tpu.memory_space<vmem>>) attributes {dimension_semantics = [#tpu.dimension_semantics<arbitrary>], iteration_bounds = array<i64: 5>, scalar_prefetch = 0 : i64, scratch_operands = 0 : i64, tpu.core_type = #tpu.core_type<tc>, window_params = [{transform_indices = @transform_0, window_bounds = array<i64: 2048, 128>}, {pipeline_mode = #tpu.pipeline_mode<synchronous>, transform_indices = @transform_1, window_bounds = array<i64: 128, 32>}, {transform_indices = @transform_2, window_bounds = array<i64: 32, 2048>}, {transform_indices = @transform_3, window_bounds = array<i64: 2048, 32>}, {transform_indices = @transform_4, window_bounds = array<i64: 2048, 32>}, {transform_indices = @transform_5, window_bounds = array<i64: 2048, 1>}]} {
    %get3A = arith.constant 0 : index
    %get3A_0 = arith.constant 0 : index
    %get3A_1 = vector.load %arg1[%get3A, %get3A_0] : memref<2048x128xf32, #tpu.memory_space<vmem>>, vector<2048x128xf32>
    %get3A_2 = arith.constant 0 : index
    %get3A_3 = arith.constant 0 : index
    %get3A_4 = vector.load %arg2[%get3A_2, %get3A_3] : memref<128x32xf32, #tpu.memory_space<vmem>>, vector<128x32xf32>
    %convert_element_type3A = arith.truncf %get3A_1 : vector<2048x128xf32> to vector<2048x128xbf16>
    %convert_element_type3A_5 = arith.truncf %get3A_4 : vector<128x32xf32> to vector<128x32xbf16>
    %dot_general3A = arith.constant dense<0.000000e+00> : vector<2048x32xf32>
    %dot_general3A_6 = tpu.matmul %convert_element_type3A, %convert_element_type3A_5, %dot_general3A {dimension_numbers = #tpu.dot_dimension_numbers<[1], [0], [0], [1], [0, 0, 1, 1], [], []>, transpose_lhs_hint = false} : vector<2048x128xbf16>, vector<128x32xbf16>, vector<2048x32xf32> -> vector<2048x32xf32>
    %broadcast_in_dim3A = arith.constant 1.000000e+00 : f32
    %broadcast_in_dim3A_7 = vector.broadcast %broadcast_in_dim3A : f32 to vector<32x1xf32>
    %get3A_8 = arith.constant 0 : index
    %get3A_9 = arith.constant 0 : index
    %get3A_10 = vector.load %arg3[%get3A_8, %get3A_9] : memref<32x2048xf32, #tpu.memory_space<vmem>>, vector<32x2048xf32>
    %dot_general3A_11 = arith.constant dense<0.000000e+00> : vector<2048x1xf32>
    %dot_general3A_12 = tpu.matmul %get3A_10, %broadcast_in_dim3A_7, %dot_general3A_11 {dimension_numbers = #tpu.dot_dimension_numbers<[0], [0], [1], [1], [0, 1, 1, 1], [], []>, precision = #tpu.contract_precision<fp32>, transpose_lhs_hint = false} : vector<32x2048xf32>, vector<32x1xf32>, vector<2048x1xf32> -> vector<2048x1xf32>
    %add3A = arith.constant 1.000000e+00 : f32
    %add3A_13 = vector.broadcast %add3A : f32 to vector<2048x1xf32>
    %add3A_14 = arith.addf %dot_general3A_12, %add3A_13 : vector<2048x1xf32>
    %rsqrt3A = math.rsqrt %add3A_14 : vector<2048x1xf32>
    %mul3A = arith.constant 5.000000e-01 : f32
    %mul3A_15 = vector.broadcast %mul3A : f32 to vector<2048x1xf32>
    %mul3A_16 = arith.mulf %mul3A_15, %add3A_14 : vector<2048x1xf32>
    %mul3A_17 = arith.mulf %mul3A_16, %rsqrt3A : vector<2048x1xf32>
    %mul3A_18 = arith.mulf %mul3A_17, %rsqrt3A : vector<2048x1xf32>
    %sub3A = arith.constant 1.500000e+00 : f32
    %sub3A_19 = vector.broadcast %sub3A : f32 to vector<2048x1xf32>
    %sub3A_20 = arith.subf %sub3A_19, %mul3A_18 : vector<2048x1xf32>
    %mul3A_21 = arith.mulf %rsqrt3A, %sub3A_20 : vector<2048x1xf32>
    %mul3A_22 = arith.constant 5.000000e-01 : f32
    %mul3A_23 = vector.broadcast %mul3A_22 : f32 to vector<2048x1xf32>
    %mul3A_24 = arith.mulf %mul3A_23, %add3A_14 : vector<2048x1xf32>
    %mul3A_25 = arith.mulf %mul3A_24, %mul3A_21 : vector<2048x1xf32>
    %mul3A_26 = arith.mulf %mul3A_25, %mul3A_21 : vector<2048x1xf32>
    %sub3A_27 = arith.constant 1.500000e+00 : f32
    %sub3A_28 = vector.broadcast %sub3A_27 : f32 to vector<2048x1xf32>
    %sub3A_29 = arith.subf %sub3A_28, %mul3A_26 : vector<2048x1xf32>
    %mul3A_30 = arith.mulf %mul3A_21, %sub3A_29 : vector<2048x1xf32>
    %swap3A = arith.constant 0 : index
    %swap3A_31 = arith.constant 0 : index
    %swap3A_32 = vector.load %arg4[%swap3A, %swap3A_31] : memref<2048x32xf32, #tpu.memory_space<vmem>>, vector<2048x32xf32>
    tpu.vector_store %arg4[%swap3A, %swap3A_31], %dot_general3A_6 {strides = array<i32>} : memref<2048x32xf32, #tpu.memory_space<vmem>>, vector<2048x32xf32>,
    %mul3A_33 = vector.broadcast %mul3A_30 : vector<2048x1xf32> to vector<2048x32xf32>
    %mul3A_34 = arith.mulf %dot_general3A_6, %mul3A_33 : vector<2048x32xf32>
    %swap3A_35 = arith.constant 0 : index
    %swap3A_36 = arith.constant 0 : index
    %swap3A_37 = vector.load %arg5[%swap3A_35, %swap3A_36] : memref<2048x32xf32, #tpu.memory_space<vmem>>, vector<2048x32xf32>
    tpu.vector_store %arg5[%swap3A_35, %swap3A_36], %mul3A_34 {strides = array<i32>} : memref<2048x32xf32, #tpu.memory_space<vmem>>, vector<2048x32xf32>,
    %swap3A_38 = arith.constant 0 : index
    %swap3A_39 = arith.constant 0 : index
    %swap3A_40 = vector.load %arg6[%swap3A_38, %swap3A_39] : memref<2048x1xf32, #tpu.memory_space<vmem>>, vector<2048x1xf32>
    tpu.vector_store %arg6[%swap3A_38, %swap3A_39], %mul3A_30 {strides = array<i32>} : memref<2048x1xf32, #tpu.memory_space<vmem>>, vector<2048x1xf32>,
    return
  }
  func.func @transform_0(%arg0: i32) -> (i32, i32) {
    %c0_i32 = arith.constant 0 : i32
    %c0_i32_0 = arith.constant 0 : i32
    return %arg0, %c0_i32 : i32, i32
  }
  func.func @transform_1(%arg0: i32) -> (i32, i32) {
    %c0_i32 = arith.constant 0 : i32
    %c0_i32_0 = arith.constant 0 : i32
    %c0_i32_1 = arith.constant 0 : i32
    return %c0_i32, %c0_i32_0 : i32, i32
  }
  func.func @transform_2(%arg0: i32) -> (i32, i32) {
    %c0_i32 = arith.constant 0 : i32
    %c0_i32_0 = arith.constant 0 : i32
    return %c0_i32, %arg0 : i32, i32
  }
  func.func @transform_3(%arg0: i32) -> (i32, i32) {
    %c0_i32 = arith.constant 0 : i32
    %c0_i32_0 = arith.constant 0 : i32
    return %arg0, %c0_i32 : i32, i32
  }
  func.func @transform_4(%arg0: i32) -> (i32, i32) {
    %c0_i32 = arith.constant 0 : i32
    %c0_i32_0 = arith.constant 0 : i32
    return %arg0, %c0_i32 : i32, i32
  }
  func.func @transform_5(%arg0: i32) -> (i32, i32) {
    %c0_i32 = arith.constant 0 : i32
    %c0_i32_0 = arith.constant 0 : i32
    return %arg0, %c0_i32 : i32, i32
  }
}

module attributes {stable_mosaic.version = 14 : i64} {
  func.func @_tc_b(%arg0: i32, %arg1: memref<2x2048x32xf32, #tpu.memory_space<vmem>>, %arg2: memref<2048x32xf32, #tpu.memory_space<vmem>>, %arg3: memref<2048x1xf32, #tpu.memory_space<vmem>>, %arg4: memref<32x32xf32, #tpu.memory_space<vmem>>, %arg5: memref<1x32xf32, #tpu.memory_space<vmem>>, %arg6: memref<2048x32xf32, #tpu.memory_space<vmem>>, %arg7: memref<2048x32xf32, #tpu.memory_space<vmem>>, %arg8: memref<2048x32xf32, #tpu.memory_space<vmem>>) attributes {dimension_semantics = [#tpu.dimension_semantics<arbitrary>], iteration_bounds = array<i64: 5>, scalar_prefetch = 0 : i64, scratch_operands = 0 : i64, tpu.core_type = #tpu.core_type<tc>, window_params = [{transform_indices = @transform_0, window_bounds = array<i64: 2, 2048, 32>}, {transform_indices = @transform_1, window_bounds = array<i64: 2048, 32>}, {transform_indices = @transform_2, window_bounds = array<i64: 2048, 1>}, {pipeline_mode = #tpu.pipeline_mode<synchronous>, transform_indices = @transform_3, window_bounds = array<i64: 32, 32>}, {pipeline_mode = #tpu.pipeline_mode<synchronous>, transform_indices = @transform_4, window_bounds = array<i64: 1, 32>}, {transform_indices = @transform_5, window_bounds = array<i64: 2048, 32>}, {transform_indices = @transform_6, window_bounds = array<i64: 2048, 32>}, {transform_indices = @transform_7, window_bounds = array<i64: 2048, 32>}]} {
    %get3A = arith.constant 0 : index
    %get3A_0 = arith.constant 0 : index
    %get3A_1 = vector.load %arg3[%get3A, %get3A_0] : memref<2048x1xf32, #tpu.memory_space<vmem>>, vector<2048x1xf32>
    %get3A_2 = arith.constant 0 : index
    %get3A_3 = arith.constant 0 : index
    %get3A_4 = arith.constant 0 : index
    %get3A_5 = vector.load %arg1[%get3A_2, %get3A_3, %get3A_4] : memref<2x2048x32xf32, #tpu.memory_space<vmem>>, vector<1x2048x32xf32>
    %get3A_6 = vector.shape_cast %get3A_5 : vector<1x2048x32xf32> to vector<2048x32xf32>
    %get3A_7 = arith.constant 1 : index
    %get3A_8 = arith.constant 0 : index
    %get3A_9 = arith.constant 0 : index
    %get3A_10 = vector.load %arg1[%get3A_7, %get3A_8, %get3A_9] : memref<2x2048x32xf32, #tpu.memory_space<vmem>>, vector<1x2048x32xf32>
    %get3A_11 = vector.shape_cast %get3A_10 : vector<1x2048x32xf32> to vector<2048x32xf32>
    %add3A = arith.addf %get3A_6, %get3A_11 : vector<2048x32xf32>
    %mul3A = vector.broadcast %get3A_1 : vector<2048x1xf32> to vector<2048x32xf32>
    %mul3A_12 = arith.mulf %mul3A, %add3A : vector<2048x32xf32>
    %mul3A_13 = arith.mulf %get3A_1, %get3A_1 : vector<2048x1xf32>
    %get3A_14 = arith.constant 0 : index
    %get3A_15 = arith.constant 0 : index
    %get3A_16 = vector.load %arg2[%get3A_14, %get3A_15] : memref<2048x32xf32, #tpu.memory_space<vmem>>, vector<2048x32xf32>
    %mul3A_17 = vector.broadcast %mul3A_13 : vector<2048x1xf32> to vector<2048x32xf32>
    %mul3A_18 = arith.mulf %mul3A_17, %get3A_16 : vector<2048x32xf32>
    %add3A_19 = arith.addf %mul3A_12, %mul3A_18 : vector<2048x32xf32>
    %get3A_20 = arith.constant 0 : index
    %get3A_21 = arith.constant 0 : index
    %get3A_22 = vector.load %arg5[%get3A_20, %get3A_21] : memref<1x32xf32, #tpu.memory_space<vmem>>, vector<1x32xf32>
    %add3A_23 = vector.broadcast %get3A_22 : vector<1x32xf32> to vector<2048x32xf32>
    %add3A_24 = arith.addf %add3A_19, %add3A_23 : vector<2048x32xf32>
    %max3A = arith.constant 0.000000e+00 : f32
    %max3A_25 = vector.broadcast %max3A : f32 to vector<2048x32xf32>
    %max3A_26 = arith.maximumf %add3A_24, %max3A_25 : vector<2048x32xf32>
    %get3A_27 = arith.constant 0 : index
    %get3A_28 = arith.constant 0 : index
    %get3A_29 = vector.load %arg4[%get3A_27, %get3A_28] : memref<32x32xf32, #tpu.memory_space<vmem>>, vector<32x32xf32>
    %convert_element_type3A = arith.truncf %max3A_26 : vector<2048x32xf32> to vector<2048x32xbf16>
    %convert_element_type3A_30 = arith.truncf %get3A_29 : vector<32x32xf32> to vector<32x32xbf16>
    %dot_general3A = arith.constant dense<0.000000e+00> : vector<2048x32xf32>
    %dot_general3A_31 = tpu.matmul %convert_element_type3A, %convert_element_type3A_30, %dot_general3A {dimension_numbers = #tpu.dot_dimension_numbers<[1], [0], [0], [1], [0, 0, 1, 1], [], []>, transpose_lhs_hint = false} : vector<2048x32xbf16>, vector<32x32xbf16>, vector<2048x32xf32> -> vector<2048x32xf32>
    %swap3A = arith.constant 0 : index
    %swap3A_32 = arith.constant 0 : index
    %swap3A_33 = vector.load %arg6[%swap3A, %swap3A_32] : memref<2048x32xf32, #tpu.memory_space<vmem>>, vector<2048x32xf32>
    tpu.vector_store %arg6[%swap3A, %swap3A_32], %max3A_26 {strides = array<i32>} : memref<2048x32xf32, #tpu.memory_space<vmem>>, vector<2048x32xf32>,
    %swap3A_34 = arith.constant 0 : index
    %swap3A_35 = arith.constant 0 : index
    %swap3A_36 = vector.load %arg7[%swap3A_34, %swap3A_35] : memref<2048x32xf32, #tpu.memory_space<vmem>>, vector<2048x32xf32>
    tpu.vector_store %arg7[%swap3A_34, %swap3A_35], %dot_general3A_31 {strides = array<i32>} : memref<2048x32xf32, #tpu.memory_space<vmem>>, vector<2048x32xf32>,
    %mul3A_37 = vector.broadcast %get3A_1 : vector<2048x1xf32> to vector<2048x32xf32>
    %mul3A_38 = arith.mulf %dot_general3A_31, %mul3A_37 : vector<2048x32xf32>
    %swap3A_39 = arith.constant 0 : index
    %swap3A_40 = arith.constant 0 : index
    %swap3A_41 = vector.load %arg8[%swap3A_39, %swap3A_40] : memref<2048x32xf32, #tpu.memory_space<vmem>>, vector<2048x32xf32>
    tpu.vector_store %arg8[%swap3A_39, %swap3A_40], %mul3A_38 {strides = array<i32>} : memref<2048x32xf32, #tpu.memory_space<vmem>>, vector<2048x32xf32>,
    return
  }
  func.func @transform_0(%arg0: i32) -> (i32, i32, i32) {
    %c0_i32 = arith.constant 0 : i32
    %c0_i32_0 = arith.constant 0 : i32
    %c0_i32_1 = arith.constant 0 : i32
    return %c0_i32, %arg0, %c0_i32_0 : i32, i32, i32
  }
  func.func @transform_1(%arg0: i32) -> (i32, i32) {
    %c0_i32 = arith.constant 0 : i32
    %c0_i32_0 = arith.constant 0 : i32
    return %arg0, %c0_i32 : i32, i32
  }
  func.func @transform_2(%arg0: i32) -> (i32, i32) {
    %c0_i32 = arith.constant 0 : i32
    %c0_i32_0 = arith.constant 0 : i32
    return %arg0, %c0_i32 : i32, i32
  }
  func.func @transform_3(%arg0: i32) -> (i32, i32) {
    %c0_i32 = arith.constant 0 : i32
    %c0_i32_0 = arith.constant 0 : i32
    %c0_i32_1 = arith.constant 0 : i32
    return %c0_i32, %c0_i32_0 : i32, i32
  }
  func.func @transform_4(%arg0: i32) -> (i32, i32) {
    %c0_i32 = arith.constant 0 : i32
    %c0_i32_0 = arith.constant 0 : i32
    %c0_i32_1 = arith.constant 0 : i32
    return %c0_i32, %c0_i32_0 : i32, i32
  }
  func.func @transform_5(%arg0: i32) -> (i32, i32) {
    %c0_i32 = arith.constant 0 : i32
    %c0_i32_0 = arith.constant 0 : i32
    return %arg0, %c0_i32 : i32, i32
  }
  func.func @transform_6(%arg0: i32) -> (i32, i32) {
    %c0_i32 = arith.constant 0 : i32
    %c0_i32_0 = arith.constant 0 : i32
    return %arg0, %c0_i32 : i32, i32
  }
  func.func @transform_7(%arg0: i32) -> (i32, i32) {
    %c0_i32 = arith.constant 0 : i32
    %c0_i32_0 = arith.constant 0 : i32
    return %arg0, %c0_i32 : i32, i32
  }
}

module attributes {stable_mosaic.version = 14 : i64} {
  func.func @_tc_c(%arg0: i32, %arg1: memref<2x2048x32xf32, #tpu.memory_space<vmem>>, %arg2: memref<2048x32xf32, #tpu.memory_space<vmem>>, %arg3: memref<2048x1xf32, #tpu.memory_space<vmem>>, %arg4: memref<2048x32xf32, #tpu.memory_space<vmem>>, %arg5: memref<1x32xf32, #tpu.memory_space<vmem>>, %arg6: memref<48x64xf32, #tpu.memory_space<vmem>>, %arg7: memref<1x64xf32, #tpu.memory_space<vmem>>, %arg8: memref<1xi32, #tpu.memory_space<smem>>, %arg9: memref<2048x48xf32, #tpu.memory_space<vmem>>, %arg10: memref<1x64xf32, #tpu.memory_space<vmem>>) attributes {dimension_semantics = [#tpu.dimension_semantics<arbitrary>], iteration_bounds = array<i64: 5>, scalar_prefetch = 0 : i64, scratch_operands = 0 : i64, tpu.core_type = #tpu.core_type<tc>, window_params = [{transform_indices = @transform_0, window_bounds = array<i64: 2, 2048, 32>}, {transform_indices = @transform_1, window_bounds = array<i64: 2048, 32>}, {transform_indices = @transform_2, window_bounds = array<i64: 2048, 1>}, {transform_indices = @transform_3, window_bounds = array<i64: 2048, 32>}, {pipeline_mode = #tpu.pipeline_mode<synchronous>, transform_indices = @transform_4, window_bounds = array<i64: 1, 32>}, {pipeline_mode = #tpu.pipeline_mode<synchronous>, transform_indices = @transform_5, window_bounds = array<i64: 48, 64>}, {pipeline_mode = #tpu.pipeline_mode<synchronous>, transform_indices = @transform_6, window_bounds = array<i64: 1, 64>}, {transform_indices = @transform_7, window_bounds = array<i64: 1>}, {transform_indices = @transform_8, window_bounds = array<i64: 2048, 48>}, {pipeline_mode = #tpu.pipeline_mode<synchronous>, transform_indices = @transform_9, window_bounds = array<i64: 1, 64>}]} {
    %get3A = arith.constant 0 : index
    %get3A_0 = arith.constant 0 : index
    %get3A_1 = vector.load %arg3[%get3A, %get3A_0] : memref<2048x1xf32, #tpu.memory_space<vmem>>, vector<2048x1xf32>
    %get3A_2 = arith.constant 0 : index
    %get3A_3 = arith.constant 0 : index
    %get3A_4 = arith.constant 0 : index
    %get3A_5 = vector.load %arg1[%get3A_2, %get3A_3, %get3A_4] : memref<2x2048x32xf32, #tpu.memory_space<vmem>>, vector<1x2048x32xf32>
    %get3A_6 = vector.shape_cast %get3A_5 : vector<1x2048x32xf32> to vector<2048x32xf32>
    %get3A_7 = arith.constant 1 : index
    %get3A_8 = arith.constant 0 : index
    %get3A_9 = arith.constant 0 : index
    %get3A_10 = vector.load %arg1[%get3A_7, %get3A_8, %get3A_9] : memref<2x2048x32xf32, #tpu.memory_space<vmem>>, vector<1x2048x32xf32>
    %get3A_11 = vector.shape_cast %get3A_10 : vector<1x2048x32xf32> to vector<2048x32xf32>
    %add3A = arith.addf %get3A_6, %get3A_11 : vector<2048x32xf32>
    %mul3A = vector.broadcast %get3A_1 : vector<2048x1xf32> to vector<2048x32xf32>
    %mul3A_12 = arith.mulf %mul3A, %add3A : vector<2048x32xf32>
    %mul3A_13 = arith.mulf %get3A_1, %get3A_1 : vector<2048x1xf32>
    %get3A_14 = arith.constant 0 : index
    %get3A_15 = arith.constant 0 : index
    %get3A_16 = vector.load %arg2[%get3A_14, %get3A_15] : memref<2048x32xf32, #tpu.memory_space<vmem>>, vector<2048x32xf32>
    %mul3A_17 = vector.broadcast %mul3A_13 : vector<2048x1xf32> to vector<2048x32xf32>
    %mul3A_18 = arith.mulf %mul3A_17, %get3A_16 : vector<2048x32xf32>
    %add3A_19 = arith.addf %mul3A_12, %mul3A_18 : vector<2048x32xf32>
    %get3A_20 = arith.constant 0 : index
    %get3A_21 = arith.constant 0 : index
    %get3A_22 = vector.load %arg5[%get3A_20, %get3A_21] : memref<1x32xf32, #tpu.memory_space<vmem>>, vector<1x32xf32>
    %add3A_23 = vector.broadcast %get3A_22 : vector<1x32xf32> to vector<2048x32xf32>
    %add3A_24 = arith.addf %add3A_19, %add3A_23 : vector<2048x32xf32>
    %max3A = arith.constant 0.000000e+00 : f32
    %max3A_25 = vector.broadcast %max3A : f32 to vector<2048x32xf32>
    %max3A_26 = arith.maximumf %add3A_24, %max3A_25 : vector<2048x32xf32>
    %get3A_27 = arith.constant 0 : index
    %get3A_28 = arith.constant 0 : index
    %get3A_29 = vector.load %arg4[%get3A_27, %get3A_28] : memref<2048x32xf32, #tpu.memory_space<vmem>>, vector<2048x20xf32>
    %slice3A = vector.extract_strided_slice %max3A_26 {offsets = [0, 0], sizes = [2048, 20], strides = [1, 1]} : vector<2048x32xf32> to vector<2048x20xf32>
    %broadcast_in_dim3A = arith.constant 0.000000e+00 : f32
    %broadcast_in_dim3A_30 = vector.broadcast %broadcast_in_dim3A : f32 to vector<2048x8xf32>
    %concatenate3A = tpu.concatenate %get3A_29, %slice3A, %broadcast_in_dim3A_30 in 1 : vector<2048x20xf32>, vector<2048x20xf32>, vector<2048x8xf32> -> vector<2048x48xf32>
    %swap3A = arith.constant 0 : index
    %swap3A_31 = arith.constant 0 : index
    %swap3A_32 = vector.load %arg9[%swap3A, %swap3A_31] : memref<2048x48xf32, #tpu.memory_space<vmem>>, vector<2048x48xf32>
    tpu.vector_store %arg9[%swap3A, %swap3A_31], %concatenate3A {strides = array<i32>} : memref<2048x48xf32, #tpu.memory_space<vmem>>, vector<2048x48xf32>,
    %iota3A = tpu.iota {dimensions = array<i32: 0>} : vector<2048x1xi32>
    %mul3A_33 = arith.constant 2048 : i32
    %mul3A_34 = arith.muli %arg0, %mul3A_33 : i32
    %add3A_35 = vector.broadcast %mul3A_34 : i32 to vector<2048x1xi32>
    %add3A_36 = arith.addi %iota3A, %add3A_35 : vector<2048x1xi32>
    %get3A_37 = arith.constant 0 : index
    %get3A_38 = memref.load %arg8[%get3A_37] : memref<1xi32, #tpu.memory_space<smem>>
    %eq3A = vector.broadcast %get3A_38 : i32 to vector<2048x1xi32>
    %eq3A_39 = arith.cmpi eq, %add3A_36, %eq3A : vector<2048x1xi32>
    %convert_element_type3A = arith.extui %eq3A_39 : vector<2048x1xi1> to vector<2048x1xi32>
    %convert_element_type3A_40 = arith.sitofp %convert_element_type3A : vector<2048x1xi32> to vector<2048x1xf32>
    %dot_general3A = arith.constant dense<0.000000e+00> : vector<1x48xf32>
    %dot_general3A_41 = tpu.matmul %convert_element_type3A_40, %concatenate3A, %dot_general3A {dimension_numbers = #tpu.dot_dimension_numbers<[0], [0], [1], [1], [0, 1, 1, 1], [], []>, precision = #tpu.contract_precision<fp32>, transpose_lhs_hint = false} : vector<2048x1xf32>, vector<2048x48xf32>, vector<1x48xf32> -> vector<1x48xf32>
    %get3A_42 = arith.constant 0 : index
    %get3A_43 = arith.constant 0 : index
    %get3A_44 = vector.load %arg6[%get3A_42, %get3A_43] : memref<48x64xf32, #tpu.memory_space<vmem>>, vector<48x64xf32>
    %convert_element_type3A_45 = arith.truncf %dot_general3A_41 : vector<1x48xf32> to vector<1x48xbf16>
    %convert_element_type3A_46 = arith.truncf %get3A_44 : vector<48x64xf32> to vector<48x64xbf16>
    %dot_general3A_47 = arith.constant dense<0.000000e+00> : vector<1x64xf32>
    %dot_general3A_48 = tpu.matmul %convert_element_type3A_45, %convert_element_type3A_46, %dot_general3A_47 {dimension_numbers = #tpu.dot_dimension_numbers<[1], [0], [0], [1], [0, 0, 1, 1], [], []>, transpose_lhs_hint = false} : vector<1x48xbf16>, vector<48x64xbf16>, vector<1x64xf32> -> vector<1x64xf32>
    %eq3A_49 = arith.constant 0 : i32
    %eq3A_50 = arith.cmpi eq, %arg0, %eq3A_49 : i32
    %convert_element_type3A_51 = arith.extui %eq3A_50 : i1 to i32
    %cond3A = arith.constant 0 : i32
    %cond3A_52 = arith.cmpi ne, %convert_element_type3A_51, %cond3A : i32
    scf.if %cond3A_52 {
      %get3A_57 = arith.constant 0 : index
      %get3A_58 = arith.constant 0 : index
      %get3A_59 = vector.load %arg7[%get3A_57, %get3A_58] : memref<1x64xf32, #tpu.memory_space<vmem>>, vector<1x64xf32>
      %add3A_60 = arith.addf %dot_general3A_48, %get3A_59 : vector<1x64xf32>
      %swap3A_61 = arith.constant 0 : index
      %swap3A_62 = arith.constant 0 : index
      %swap3A_63 = vector.load %arg10[%swap3A_61, %swap3A_62] : memref<1x64xf32, #tpu.memory_space<vmem>>, vector<1x64xf32>
      tpu.vector_store %arg10[%swap3A_61, %swap3A_62], %add3A_60 {strides = array<i32>} : memref<1x64xf32, #tpu.memory_space<vmem>>, vector<1x64xf32>,
    } else {
    }
    %gt3A = arith.constant 0 : i32
    %gt3A_53 = arith.cmpi sgt, %arg0, %gt3A : i32
    %convert_element_type3A_54 = arith.extui %gt3A_53 : i1 to i32
    %cond3A_55 = arith.constant 0 : i32
    %cond3A_56 = arith.cmpi ne, %convert_element_type3A_54, %cond3A_55 : i32
    scf.if %cond3A_56 {
      %get3A_57 = arith.constant 0 : index
      %get3A_58 = arith.constant 0 : index
      %get3A_59 = vector.load %arg10[%get3A_57, %get3A_58] : memref<1x64xf32, #tpu.memory_space<vmem>>, vector<1x64xf32>
      %add3A_60 = arith.addf %get3A_59, %dot_general3A_48 : vector<1x64xf32>
      %swap3A_61 = arith.constant 0 : index
      %swap3A_62 = arith.constant 0 : index
      %swap3A_63 = vector.load %arg10[%swap3A_61, %swap3A_62] : memref<1x64xf32, #tpu.memory_space<vmem>>, vector<1x64xf32>
      tpu.vector_store %arg10[%swap3A_61, %swap3A_62], %add3A_60 {strides = array<i32>} : memref<1x64xf32, #tpu.memory_space<vmem>>, vector<1x64xf32>,
    } else {
    }
    return
  }
  func.func @transform_0(%arg0: i32) -> (i32, i32, i32) {
    %c0_i32 = arith.constant 0 : i32
    %c0_i32_0 = arith.constant 0 : i32
    %c0_i32_1 = arith.constant 0 : i32
    return %c0_i32, %arg0, %c0_i32_0 : i32, i32, i32
  }
  func.func @transform_1(%arg0: i32) -> (i32, i32) {
    %c0_i32 = arith.constant 0 : i32
    %c0_i32_0 = arith.constant 0 : i32
    return %arg0, %c0_i32 : i32, i32
  }
  func.func @transform_2(%arg0: i32) -> (i32, i32) {
    %c0_i32 = arith.constant 0 : i32
    %c0_i32_0 = arith.constant 0 : i32
    return %arg0, %c0_i32 : i32, i32
  }
  func.func @transform_3(%arg0: i32) -> (i32, i32) {
    %c0_i32 = arith.constant 0 : i32
    %c0_i32_0 = arith.constant 0 : i32
    return %arg0, %c0_i32 : i32, i32
  }
  func.func @transform_4(%arg0: i32) -> (i32, i32) {
    %c0_i32 = arith.constant 0 : i32
    %c0_i32_0 = arith.constant 0 : i32
    %c0_i32_1 = arith.constant 0 : i32
    return %c0_i32, %c0_i32_0 : i32, i32
  }
  func.func @transform_5(%arg0: i32) -> (i32, i32) {
    %c0_i32 = arith.constant 0 : i32
    %c0_i32_0 = arith.constant 0 : i32
    %c0_i32_1 = arith.constant 0 : i32
    return %c0_i32, %c0_i32_0 : i32, i32
  }
  func.func @transform_6(%arg0: i32) -> (i32, i32) {
    %c0_i32 = arith.constant 0 : i32
    %c0_i32_0 = arith.constant 0 : i32
    %c0_i32_1 = arith.constant 0 : i32
    return %c0_i32, %c0_i32_0 : i32, i32
  }
  func.func @transform_7(%arg0: i32) -> i32 {
    %c0_i32 = arith.constant 0 : i32
    %c0_i32_0 = arith.constant 0 : i32
    return %c0_i32 : i32
  }
  func.func @transform_8(%arg0: i32) -> (i32, i32) {
    %c0_i32 = arith.constant 0 : i32
    %c0_i32_0 = arith.constant 0 : i32
    return %arg0, %c0_i32 : i32, i32
  }
  func.func @transform_9(%arg0: i32) -> (i32, i32) {
    %c0_i32 = arith.constant 0 : i32
    %c0_i32_0 = arith.constant 0 : i32
    %c0_i32_1 = arith.constant 0 : i32
    return %c0_i32, %c0_i32_0 : i32, i32
  }
}

module attributes {stable_mosaic.version = 14 : i64} {
  func.func @_tc_d(%arg0: i32, %arg1: memref<5120x48xf32, #tpu.memory_space<vmem>>, %arg2: memref<5120x48xf32, #tpu.memory_space<vmem>>, %arg3: memref<48x64xf32, #tpu.memory_space<vmem>>, %arg4: memref<48x64xf32, #tpu.memory_space<vmem>>, %arg5: memref<1x64xf32, #tpu.memory_space<vmem>>, %arg6: memref<1x64xf32, #tpu.memory_space<vmem>>, %arg7: memref<1x1xf32, #tpu.memory_space<vmem>>, %arg8: memref<5120x1xf32, #tpu.memory_space<vmem>>) attributes {dimension_semantics = [#tpu.dimension_semantics<arbitrary>], iteration_bounds = array<i64: 64>, scalar_prefetch = 0 : i64, scratch_operands = 0 : i64, tpu.core_type = #tpu.core_type<tc>, window_params = [{transform_indices = @transform_0, window_bounds = array<i64: 5120, 48>}, {transform_indices = @transform_1, window_bounds = array<i64: 5120, 48>}, {pipeline_mode = #tpu.pipeline_mode<synchronous>, transform_indices = @transform_2, window_bounds = array<i64: 48, 64>}, {pipeline_mode = #tpu.pipeline_mode<synchronous>, transform_indices = @transform_3, window_bounds = array<i64: 48, 64>}, {pipeline_mode = #tpu.pipeline_mode<synchronous>, transform_indices = @transform_4, window_bounds = array<i64: 1, 64>}, {pipeline_mode = #tpu.pipeline_mode<synchronous>, transform_indices = @transform_5, window_bounds = array<i64: 1, 64>}, {pipeline_mode = #tpu.pipeline_mode<synchronous>, transform_indices = @transform_6, window_bounds = array<i64: 1, 1>}, {transform_indices = @transform_7, window_bounds = array<i64: 5120, 1>}]} {
    %get3A = arith.constant 0 : index
    %get3A_0 = arith.constant 0 : index
    %get3A_1 = vector.load %arg1[%get3A, %get3A_0] : memref<5120x48xf32, #tpu.memory_space<vmem>>, vector<5120x48xf32>
    %get3A_2 = arith.constant 0 : index
    %get3A_3 = arith.constant 0 : index
    %get3A_4 = vector.load %arg3[%get3A_2, %get3A_3] : memref<48x64xf32, #tpu.memory_space<vmem>>, vector<48x64xf32>
    %convert_element_type3A = arith.truncf %get3A_1 : vector<5120x48xf32> to vector<5120x48xbf16>
    %convert_element_type3A_5 = arith.truncf %get3A_4 : vector<48x64xf32> to vector<48x64xbf16>
    %dot_general3A = arith.constant dense<0.000000e+00> : vector<5120x64xf32>
    %dot_general3A_6 = tpu.matmul %convert_element_type3A, %convert_element_type3A_5, %dot_general3A {dimension_numbers = #tpu.dot_dimension_numbers<[1], [0], [0], [1], [0, 0, 1, 1], [], []>, transpose_lhs_hint = false} : vector<5120x48xbf16>, vector<48x64xbf16>, vector<5120x64xf32> -> vector<5120x64xf32>
    %get3A_7 = arith.constant 0 : index
    %get3A_8 = arith.constant 0 : index
    %get3A_9 = vector.load %arg2[%get3A_7, %get3A_8] : memref<5120x48xf32, #tpu.memory_space<vmem>>, vector<5120x48xf32>
    %get3A_10 = arith.constant 0 : index
    %get3A_11 = arith.constant 0 : index
    %get3A_12 = vector.load %arg4[%get3A_10, %get3A_11] : memref<48x64xf32, #tpu.memory_space<vmem>>, vector<48x64xf32>
    %convert_element_type3A_13 = arith.truncf %get3A_9 : vector<5120x48xf32> to vector<5120x48xbf16>
    %convert_element_type3A_14 = arith.truncf %get3A_12 : vector<48x64xf32> to vector<48x64xbf16>
    %dot_general3A_15 = arith.constant dense<0.000000e+00> : vector<5120x64xf32>
    %dot_general3A_16 = tpu.matmul %convert_element_type3A_13, %convert_element_type3A_14, %dot_general3A_15 {dimension_numbers = #tpu.dot_dimension_numbers<[1], [0], [0], [1], [0, 0, 1, 1], [], []>, transpose_lhs_hint = false} : vector<5120x48xbf16>, vector<48x64xbf16>, vector<5120x64xf32> -> vector<5120x64xf32>
    %add3A = arith.addf %dot_general3A_6, %dot_general3A_16 : vector<5120x64xf32>
    %get3A_17 = arith.constant 0 : index
    %get3A_18 = arith.constant 0 : index
    %get3A_19 = vector.load %arg5[%get3A_17, %get3A_18] : memref<1x64xf32, #tpu.memory_space<vmem>>, vector<1x64xf32>
    %add3A_20 = vector.broadcast %get3A_19 : vector<1x64xf32> to vector<5120x64xf32>
    %add3A_21 = arith.addf %add3A, %add3A_20 : vector<5120x64xf32>
    %max3A = arith.constant 0.000000e+00 : f32
    %max3A_22 = vector.broadcast %max3A : f32 to vector<5120x64xf32>
    %max3A_23 = arith.maximumf %add3A_21, %max3A_22 : vector<5120x64xf32>
    %convert_element_type3A_24 = arith.truncf %max3A_23 : vector<5120x64xf32> to vector<5120x64xbf16>
    %convert_element_type3A_25 = arith.extf %convert_element_type3A_24 : vector<5120x64xbf16> to vector<5120x64xf32>
    %get3A_26 = arith.constant 0 : index
    %get3A_27 = arith.constant 0 : index
    %get3A_28 = vector.load %arg6[%get3A_26, %get3A_27] : memref<1x64xf32, #tpu.memory_space<vmem>>, vector<1x64xf32>
    %convert_element_type3A_29 = arith.truncf %get3A_28 : vector<1x64xf32> to vector<1x64xbf16>
    %convert_element_type3A_30 = arith.extf %convert_element_type3A_29 : vector<1x64xbf16> to vector<1x64xf32>
    %mul3A = vector.broadcast %convert_element_type3A_30 : vector<1x64xf32> to vector<5120x64xf32>
    %mul3A_31 = arith.mulf %convert_element_type3A_25, %mul3A : vector<5120x64xf32>
    %reduce_sum3A = arith.constant dense<0.000000e+00> : vector<5120xf32>
    %reduce_sum3A_32 = vector.multi_reduction <add>, %mul3A_31, %reduce_sum3A [1] : vector<5120x64xf32> to vector<5120xf32>
    %broadcast_in_dim3A = vector.shape_cast %reduce_sum3A_32 : vector<5120xf32> to vector<5120x1xf32>
    %get3A_33 = arith.constant 0 : index
    %get3A_34 = arith.constant 0 : index
    %get3A_35 = vector.load %arg7[%get3A_33, %get3A_34] : memref<1x1xf32, #tpu.memory_space<vmem>>, vector<1x1xf32>
    %add3A_36 = vector.broadcast %get3A_35 : vector<1x1xf32> to vector<5120x1xf32>
    %add3A_37 = arith.addf %broadcast_in_dim3A, %add3A_36 : vector<5120x1xf32>
    %swap3A = arith.constant 0 : index
    %swap3A_38 = arith.constant 0 : index
    %swap3A_39 = vector.load %arg8[%swap3A, %swap3A_38] : memref<5120x1xf32, #tpu.memory_space<vmem>>, vector<5120x1xf32>
    tpu.vector_store %arg8[%swap3A, %swap3A_38], %add3A_37 {strides = array<i32>} : memref<5120x1xf32, #tpu.memory_space<vmem>>, vector<5120x1xf32>,
    return
  }
  func.func @transform_0(%arg0: i32) -> (i32, i32) {
    %c0_i32 = arith.constant 0 : i32
    %c0_i32_0 = arith.constant 0 : i32
    return %arg0, %c0_i32 : i32, i32
  }
  func.func @transform_1(%arg0: i32) -> (i32, i32) {
    %c0_i32 = arith.constant 0 : i32
    %c0_i32_0 = arith.constant 0 : i32
    return %arg0, %c0_i32 : i32, i32
  }
  func.func @transform_2(%arg0: i32) -> (i32, i32) {
    %c0_i32 = arith.constant 0 : i32
    %c0_i32_0 = arith.constant 0 : i32
    %c0_i32_1 = arith.constant 0 : i32
    return %c0_i32, %c0_i32_0 : i32, i32
  }
  func.func @transform_3(%arg0: i32) -> (i32, i32) {
    %c0_i32 = arith.constant 0 : i32
    %c0_i32_0 = arith.constant 0 : i32
    %c0_i32_1 = arith.constant 0 : i32
    return %c0_i32, %c0_i32_0 : i32, i32
  }
  func.func @transform_4(%arg0: i32) -> (i32, i32) {
    %c0_i32 = arith.constant 0 : i32
    %c0_i32_0 = arith.constant 0 : i32
    %c0_i32_1 = arith.constant 0 : i32
    return %c0_i32, %c0_i32_0 : i32, i32
  }
  func.func @transform_5(%arg0: i32) -> (i32, i32) {
    %c0_i32 = arith.constant 0 : i32
    %c0_i32_0 = arith.constant 0 : i32
    %c0_i32_1 = arith.constant 0 : i32
    return %c0_i32, %c0_i32_0 : i32, i32
  }
  func.func @transform_6(%arg0: i32) -> (i32, i32) {
    %c0_i32 = arith.constant 0 : i32
    %c0_i32_0 = arith.constant 0 : i32
    %c0_i32_1 = arith.constant 0 : i32
    return %c0_i32, %c0_i32_0 : i32, i32
  }
  func.func @transform_7(%arg0: i32) -> (i32, i32) {
    %c0_i32 = arith.constant 0 : i32
    %c0_i32_0 = arith.constant 0 : i32
    return %arg0, %c0_i32 : i32, i32
  }
}

module attributes {stable_mosaic.version = 14 : i64} {
  func.func @_tc_sparsemax(%arg0: memref<2560x128xf32, #tpu.memory_space<vmem>>, %arg1: memref<2560x128xf32, #tpu.memory_space<vmem>>) attributes {dimension_semantics = [], scalar_prefetch = 0 : i64, scratch_operands = 0 : i64, tpu.core_type = #tpu.core_type<tc>} {
    %iota3A = tpu.iota {dimensions = array<i32: 0>} : vector<2560x128xi32>
    %lt3A = arith.constant 2500 : i32
    %lt3A_0 = vector.broadcast %lt3A : i32 to vector<2560x128xi32>
    %lt3A_1 = arith.cmpi slt, %iota3A, %lt3A_0 : vector<2560x128xi32>
    %get3A = arith.constant 0 : index
    %get3A_2 = arith.constant 0 : index
    %get3A_3 = vector.load %arg0[%get3A, %get3A_2] : memref<2560x128xf32, #tpu.memory_space<vmem>>, vector<2560x128xf32>
    %jit3A = arith.constant -1.000000e+30 : f32
    %broadcast_in_dim3A = vector.broadcast %jit3A : f32 to vector<2560x128xf32>
    %select_n3A = arith.select %lt3A_1, %get3A_3, %broadcast_in_dim3A : vector<2560x128xi1>, vector<2560x128xf32>
    %reduce_max3A = vector.shape_cast %select_n3A : vector<2560x128xf32> to vector<1x2560x128xf32>
    %reduce_max3A_4 = arith.constant dense<0xFF800000> : vector<1xf32>
    %reduce_max3A_5 = vector.multi_reduction <maximumf>, %reduce_max3A, %reduce_max3A_4 [1, 2] : vector<1x2560x128xf32> to vector<1xf32>
    %reduce_max3A_6 = vector.shape_cast %reduce_max3A_5 : vector<1xf32> to vector<1x1x1xf32>
    %reduce_max3A_7 = vector.extract %reduce_max3A_6[0, 0, 0] : f32 from vector<1x1x1xf32>
    %sub3A = arith.constant 1.000000e+00 : f32
    %sub3A_8 = arith.subf %reduce_max3A_7, %sub3A : f32
    %scan3A = arith.constant 0 : i32
    %scan3A_9 = arith.constant 28 : i32
    %scan3A_10 = arith.addi %scan3A, %scan3A_9 : i32
    %scan3A_11 = arith.constant 1 : i32
    %scan3A_12:2 = scf.for %scan3A_24 = %scan3A to %scan3A_10 step %scan3A_11 iter_args(%scan3A_25 = %sub3A_8, %scan3A_26 = %reduce_max3A_7) -> (f32, f32)  : i32 {
      %add3A = arith.addf %scan3A_25, %scan3A_26 : f32
      %mul3A = arith.constant 5.000000e-01 : f32
      %mul3A_27 = arith.mulf %mul3A, %add3A : f32
      %gt3A = vector.broadcast %mul3A_27 : f32 to vector<2560x128xf32>
      %gt3A_28 = arith.cmpf ogt, %select_n3A, %gt3A : vector<2560x128xf32>
      %sub3A_29 = vector.broadcast %mul3A_27 : f32 to vector<2560x128xf32>
      %sub3A_30 = arith.subf %select_n3A, %sub3A_29 : vector<2560x128xf32>
      %jit3A_31 = arith.constant 0.000000e+00 : f32
      %broadcast_in_dim3A_32 = vector.broadcast %jit3A_31 : f32 to vector<2560x128xf32>
      %select_n3A_33 = arith.select %gt3A_28, %sub3A_30, %broadcast_in_dim3A_32 : vector<2560x128xi1>, vector<2560x128xf32>
      %reduce_sum3A = vector.shape_cast %select_n3A_33 : vector<2560x128xf32> to vector<1x2560x128xf32>
      %reduce_sum3A_34 = arith.constant dense<0.000000e+00> : vector<1xf32>
      %reduce_sum3A_35 = vector.multi_reduction <add>, %reduce_sum3A, %reduce_sum3A_34 [1, 2] : vector<1x2560x128xf32> to vector<1xf32>
      %reduce_sum3A_36 = vector.shape_cast %reduce_sum3A_35 : vector<1xf32> to vector<1x1x1xf32>
      %reduce_sum3A_37 = vector.extract %reduce_sum3A_36[0, 0, 0] : f32 from vector<1x1x1xf32>
      %gt3A_38 = arith.constant 1.000000e+00 : f32
      %gt3A_39 = arith.cmpf ogt, %reduce_sum3A_37, %gt3A_38 : f32
      %select_n3A_40 = arith.select %gt3A_39, %mul3A_27, %scan3A_25 : f32
      %select_n3A_41 = arith.select %gt3A_39, %scan3A_26, %mul3A_27 : f32
      scf.yield %select_n3A_40, %select_n3A_41 : f32, f32
    }
    %scan3A_13 = arith.constant 0 : i32
    %scan3A_14 = arith.constant 6 : i32
    %scan3A_15 = arith.addi %scan3A_13, %scan3A_14 : i32
    %scan3A_16 = arith.constant 1 : i32
    %scan3A_17 = scf.for %scan3A_24 = %scan3A_13 to %scan3A_15 step %scan3A_16 iter_args(%scan3A_25 = %scan3A_12#0) -> (f32)  : i32 {
      %gt3A = vector.broadcast %scan3A_25 : f32 to vector<2560x128xf32>
      %gt3A_26 = arith.cmpf ogt, %select_n3A, %gt3A : vector<2560x128xf32>
      %jit3A_27 = arith.constant 1.000000e+00 : f32
      %jit3A_28 = arith.constant 0.000000e+00 : f32
      %broadcast_in_dim3A_29 = vector.broadcast %jit3A_27 : f32 to vector<2560x128xf32>
      %broadcast_in_dim3A_30 = vector.broadcast %jit3A_28 : f32 to vector<2560x128xf32>
      %select_n3A_31 = arith.select %gt3A_26, %broadcast_in_dim3A_29, %broadcast_in_dim3A_30 : vector<2560x128xi1>, vector<2560x128xf32>
      %reduce_sum3A = vector.shape_cast %select_n3A_31 : vector<2560x128xf32> to vector<1x2560x128xf32>
      %reduce_sum3A_32 = arith.constant dense<0.000000e+00> : vector<1xf32>
      %reduce_sum3A_33 = vector.multi_reduction <add>, %reduce_sum3A, %reduce_sum3A_32 [1, 2] : vector<1x2560x128xf32> to vector<1xf32>
      %reduce_sum3A_34 = vector.shape_cast %reduce_sum3A_33 : vector<1xf32> to vector<1x1x1xf32>
      %reduce_sum3A_35 = vector.extract %reduce_sum3A_34[0, 0, 0] : f32 from vector<1x1x1xf32>
      %max3A_36 = arith.constant 1.000000e+00 : f32
      %max3A_37 = arith.maximumf %reduce_sum3A_35, %max3A_36 : f32
      %gt3A_38 = vector.broadcast %scan3A_25 : f32 to vector<2560x128xf32>
      %gt3A_39 = arith.cmpf ogt, %select_n3A, %gt3A_38 : vector<2560x128xf32>
      %jit3A_40 = arith.constant 0.000000e+00 : f32
      %broadcast_in_dim3A_41 = vector.broadcast %jit3A_40 : f32 to vector<2560x128xf32>
      %select_n3A_42 = arith.select %gt3A_39, %select_n3A, %broadcast_in_dim3A_41 : vector<2560x128xi1>, vector<2560x128xf32>
      %reduce_sum3A_43 = vector.shape_cast %select_n3A_42 : vector<2560x128xf32> to vector<1x2560x128xf32>
      %reduce_sum3A_44 = arith.constant dense<0.000000e+00> : vector<1xf32>
      %reduce_sum3A_45 = vector.multi_reduction <add>, %reduce_sum3A_43, %reduce_sum3A_44 [1, 2] : vector<1x2560x128xf32> to vector<1xf32>
      %reduce_sum3A_46 = vector.shape_cast %reduce_sum3A_45 : vector<1xf32> to vector<1x1x1xf32>
      %reduce_sum3A_47 = vector.extract %reduce_sum3A_46[0, 0, 0] : f32 from vector<1x1x1xf32>
      %sub3A_48 = arith.constant 1.000000e+00 : f32
      %sub3A_49 = arith.subf %reduce_sum3A_47, %sub3A_48 : f32
      %div3A = arith.divf %sub3A_49, %max3A_37 : f32
      %mul3A = arith.mulf %div3A, %max3A_37 : f32
      %sub3A_50 = arith.subf %sub3A_49, %mul3A : f32
      %div3A_51 = arith.divf %sub3A_50, %max3A_37 : f32
      %add3A = arith.addf %div3A, %div3A_51 : f32
      scf.yield %add3A : f32
    }
    %sub3A_18 = vector.broadcast %scan3A_17 : f32 to vector<2560x128xf32>
    %sub3A_19 = arith.subf %select_n3A, %sub3A_18 : vector<2560x128xf32>
    %max3A = arith.constant 0.000000e+00 : f32
    %max3A_20 = vector.broadcast %max3A : f32 to vector<2560x128xf32>
    %max3A_21 = arith.maximumf %sub3A_19, %max3A_20 : vector<2560x128xf32>
    %swap3A = arith.constant 0 : index
    %swap3A_22 = arith.constant 0 : index
    %swap3A_23 = vector.load %arg1[%swap3A, %swap3A_22] : memref<2560x128xf32, #tpu.memory_space<vmem>>, vector<2560x128xf32>
    tpu.vector_store %arg1[%swap3A, %swap3A_22], %max3A_21 {strides = array<i32>} : memref<2560x128xf32, #tpu.memory_space<vmem>>, vector<2560x128xf32>,
    return
  }
}

</mosaic_0001>

<sc_bundles>
// kernel: kernel.11.cloned.1.call-start
scs
__scs_entry_jumppad:
0x0: {  	(pc) =	sbr.rel $0x88, $3  }
0x1: {  	(tag) =	ssettag $0x0;
	lr =	simm.s32 $0x1  }
0x2: {  	[smem:$0x3F96] =	sst lr;
	_ =	strace $0xD0000000  }
0x3: {  	_ = 	snop  }
0x4: {  	_ = 	snop  }
0x5: {  	_ = 	snop  }
0x6: {  	_ = 	snop  }
0x7: {  	_ = 	snop  }
__scs_overlays_trampoline_lowered:
0x8: {  	[smem:$0x3FA5] =	sst s0  }
0x9: {  	[smem:$0x3FA6] =	sst s1  }
0xa: {  	[smem:$0x3FA7] =	sst s2  }
0xb: {  	[smem:$0x3FA8] =	sst s3  }
0xc: {  	[smem:$0x3FA9] =	sst s4  }
0xd: {  	[smem:$0x3FAA] =	sst s5  }
0xe: {  	[smem:$0x3FAB] =	sst s6  }
0xf: {  	[smem:$0x3FAC] =	sst s7  }
0x10: {  	[smem:$0x3FAD] =	sst s8  }
0x11: {  	[smem:$0x3FAE] =	sst s9;
	s0 =	simm.s32 @!p0 $0x0  }
0x12: {  	s1 =	sld [smem:$0x3F94];
	s0 =	simm.s32 @p0 $0x1  }
0x13: {  	[smem:$0x3FAF] =	sst s0;
	s0 =	simm.s32 @!p1 $0x0  }
0x14: {  	s2 =	sld [smem:$0x3F93];
	s0 =	simm.s32 @p1 $0x1  }
0x15: {  	[smem:$0x3FB0] =	sst s0;
	s0 =	simm.s32 @!p2 $0x0  }
0x16: {  	s3 =	sld [smem:$0x3FDB];
	s0 =	simm.s32 @p2 $0x1  }
0x17: {  	s4 =	simm.s32 $0x1BF5;
	[smem:$0x3FB2] =	sst s0  }
0x18: {  	s0 =	sld [smem:$0x3F95];
	_ =	swait.ge [sflag:s4], $0x0  }
0x19: {  	s7 =	sld [smem:$0x3F96]  }
0x1a: {  	s8 =	sadd.s32 $0xFFFFE003, lr  }
0x1b: {  	s9 =	sadd.s32 $0xFFFFFEF7, lr;
	s5 =	simm.s32 $0xFFFFFFFF;
	p2 =	slt.u32 s8, $0xFFFFF086  }
0x1c: {  	p1 =	slt.u32 s9, $0xF7A;
	s5 =	simm.s32 @!p2 $0x0  }
0x1d: {  	s5 =	simm.s32 @p1 $0x1;
	p0 =	seq.s32 s7, s2  }
0x1e: {  	s7 =	smul.u32 @!p0 $0xF7A, s2;
	p2 =	seq.s32 @!p0 s5, $0x0  }
0x1f: {  	s9 =	smul.u32 $0xF7A, s1;
	s8 =	simm.s32 @!p0 $0x1BF5;
	p2 =	por !p2, p0  }
0x20: {  	[sflag:s8] =	ssyncset.s32 @!p0 $0xFFFFF086;
	s6 =	sadd.s32 @!p0 s3, s7;
	s7 =	simm.s32 @!p0 $0x108  }
0x21: {  	s3 =	sadd.s32 s3, s9;
	s6 =	sadd.s32 @!p0 $0x88, s6;
	s7 =	simm.s32 @p2 $0x1082  }
0x22: {  	[simem:s7], [sflag:s8] =	dma.local @!p0 [hbm:s6], $0xF7A  }
0x23: {  	s9 =	sor.u32 $0xD0000000, s2;
	s6 =	simm.s32 $0x108;
	_ =	swait.ge @!p0 [sflag:s8], $0x0  }
0x24: {  	s3 =	sadd.s32 $0x88, s3;
	s6 =	simm.s32 @!p1 $0x1082;
	[sflag:s4] =	ssyncset.s32 $0xFFFFF086  }
0x25: {  	[simem:s6], [sflag:s4] =	dma.local [hbm:s3], $0xF7A  }
0x26: {  	[smem:$0x3F96] =	sst s1;
	(tag) =	ssettag s2;
	_ =	strace s9  }
0x27: {  	s1 =	sld [smem:$0x3FA6]  }
0x28: {  	s2 =	sld [smem:$0x3FA7]  }
0x29: {  	s4 =	sld [smem:$0x3FA9]  }
0x2a: {  	p0 =	seq.s32 s5, $0x0;
	s5 =	sld [smem:$0x3FAA]  }
0x2b: {  	s6 =	sld [smem:$0x3FAB]  }
0x2c: {  	s7 =	sld [smem:$0x3FAC]  }
0x2d: {  	s3 =	simm.s32 $0x108;
	s8 =	sld [smem:$0x3FAD]  }
0x2e: {  	s3 =	simm.s32 @!p0 $0x1082;
	s9 =	sld [smem:$0x3FAE]  }
0x2f: {  	lr =	sadd.s32 s0, s3;
	s0 =	sld [smem:$0x3FA5]  }
0x30: {  	s3 =	sld [smem:$0x3FA8]  }
0x31: {  	[smem:$0x3FB1] =	sst s10  }
0x32: {  	s10 =	sld [smem:$0x3FAF];
	_ =	sdelay $0x3  }
0x33: {  	p0 =	seq.s32 s10, $0x1;
	s10 =	sld [smem:$0x3FB1];
	_ =	sdelay $0x3  }
0x34: {  	[smem:$0x3FB1] =	sst s10  }
0x35: {  	s10 =	sld [smem:$0x3FB0];
	_ =	sdelay $0x3  }
0x36: {  	p1 =	seq.s32 s10, $0x1;
	s10 =	sld [smem:$0x3FB1];
	_ =	sdelay $0x3  }
0x37: {  	[smem:$0x3FB1] =	sst s10  }
0x38: {  	s10 =	sld [smem:$0x3FB2]  }
0x39: {  	_ = 	snop;
	(pc) =	sbr.ind lr, $3  }
0x3a: {  	_ = 	snop  }
0x3b: {  	_ = 	snop  }
0x3c: {  	p2 =	seq.s32 s10, $0x1;
	s10 =	sld [smem:$0x3FB1]  }
0x3d: {  	_ =	shalt  }
0x3e: {  	_ =	shalt  }
0x3f: {  	_ =	shalt  }
0x40: {  	_ =	shalt  }
0x41: {  	_ =	shalt  }
0x42: {  	_ =	shalt  }
0x43: {  	_ =	shalt  }
0x44: {  	_ =	shalt  }
0x45: {  	_ =	shalt  }
0x46: {  	_ =	shalt  }
0x47: {  	_ =	shalt  }
0x48: {  	_ =	shalt  }
0x49: {  	_ =	shalt  }
0x4a: {  	_ =	shalt  }
0x4b: {  	_ =	shalt  }
0x4c: {  	_ =	shalt  }
0x4d: {  	_ =	shalt  }
0x4e: {  	_ =	shalt  }
0x4f: {  	_ =	shalt  }
0x50: {  	_ =	shalt  }
0x51: {  	_ =	shalt  }
0x52: {  	_ =	shalt  }
0x53: {  	_ =	shalt  }
0x54: {  	_ =	shalt  }
0x55: {  	_ =	shalt  }
0x56: {  	_ =	shalt  }
0x57: {  	_ =	shalt  }
0x58: {  	_ =	shalt  }
0x59: {  	_ =	shalt  }
0x5a: {  	_ =	shalt  }
0x5b: {  	_ =	shalt  }
0x5c: {  	_ =	shalt  }
0x5d: {  	_ =	shalt  }
0x5e: {  	_ =	shalt  }
0x5f: {  	_ =	shalt  }
0x60: {  	_ =	shalt  }
0x61: {  	_ =	shalt  }
0x62: {  	_ =	shalt  }
0x63: {  	_ =	shalt  }
0x64: {  	_ =	shalt  }
0x65: {  	_ =	shalt  }
0x66: {  	_ =	shalt  }
0x67: {  	_ =	shalt  }
0x68: {  	_ =	shalt  }
0x69: {  	_ =	shalt  }
0x6a: {  	_ =	shalt  }
0x6b: {  	_ =	shalt  }
0x6c: {  	_ =	shalt  }
0x6d: {  	_ =	shalt  }
0x6e: {  	_ =	shalt  }
0x6f: {  	_ =	shalt  }
0x70: {  	_ =	shalt  }
0x71: {  	_ =	shalt  }
0x72: {  	_ =	shalt  }
0x73: {  	_ =	shalt  }
0x74: {  	_ =	shalt  }
0x75: {  	_ =	shalt  }
0x76: {  	_ =	shalt  }
0x77: {  	_ =	shalt  }
0x78: {  	_ =	shalt  }
0x79: {  	_ =	shalt  }
0x7a: {  	_ =	shalt  }
0x7b: {  	_ =	shalt  }
0x7c: {  	_ =	shalt  }
0x7d: {  	_ =	shalt  }
0x7e: {  	_ =	shalt  }
0x7f: {  	_ =	shalt  }
0x80: {  	_ =	shalt  }
0x81: {  	_ =	shalt  }
0x82: {  	_ =	shalt  }
0x83: {  	_ =	shalt  }
0x84: {  	_ =	shalt  }
0x85: {  	_ =	shalt  }
0x86: {  	_ =	shalt  }
0x87: {  	_ =	shalt  }
.Lfunc_end0:
.L_simem_size_0:
called_computation_lowered:
.L_overlay_start_0:
0x88: {  	s2 =	sld [smem:$0x3FD9]  }
0x89: {  	s3 =	sld [smem:$0x3FFE];
	_ =	sdelay $0x1  }
0x8a: {  	s1 =	srdreg.scid  }
0x8b: {  	s0 =	sand.u32 $0x1, s1  }
0x8c: {  	s16 =	sshll.u32 s0, $0xA;
	s2 =	sadd.s32 s3, s2  }
0x8d: {  	s2 =	sadd.s32 s2, s16  }
0x8e: {  	[smem:$0x3FBD] =	sst s2  }
0x8f: {  	_ = 	snop  }
0x90: {  	(tm) =	ssettm $0x1  }
0x91: {  	s17 =	sld [smem:$0x3FFB];
	_ =	sdelay $0x3  }
0x92: {  	_ =	strace s17  }
0x93: {  	s2 =	sld [smem:$0x3FFC];
	_ =	sdelay $0x3  }
0x94: {  	_ =	strace s2  }
0x95: {  	s2 =	sld [smem:$0x3FFD];
	_ =	sdelay $0x3  }
0x96: {  	_ =	strace s2  }
0x97: {  	_ =	strace $0x8FFFFFFF  }
0x98: {  	s18 =	sld [smem:$0x3FDB];
	_ =	sdelay $0x1  }
0x99: {  	s19 =	simm.s32 $_scs_section_size  }
0x9a: {  	s4 =	simm.s32 $_size__tile_overlayer_lowered;
	s5 =	simm.s32 $_tile_overlayer_lowered  }
0x9b: {  	s22 =	simm.s32 $0x1BFF;
	s21 =	sshll.u32 s5, $0x1;
	s2 =	sadd.s32 s19, s18  }
0x9c: {  	s6 =	simm.s32 $0x0;
	s20 =	sshll.u32 s4, $0x1;
	s4 =	sadd.s32 s21, s2  }
0x9d: {  	[timem:s6], [sflag:s22] =	dma.local [hbm:s4], s20  }
0x9e: {  	_ =	swait.ge [sflag:s22], s20  }
0x9f: {  	s3 =	ssub.s32 $0x0, s20;
	[sflag:s22] =	ssyncset.done $0x0  }
0xa0: {  	[sflag:s22] =	ssyncadd.s32 s3;
	_ =	sdelay $0x1  }
0xa1: {  	s23 =	simm.s32 $0x1B8B  }
0xa2: {  	_ =	swait.ge [sflag:s23], $0x1  }
0xa3: {  	[sflag:s23] =	ssyncset.done $0x0  }
0xa4: {  	s25 =	simm.s32 $0x1B8E;
	s24 =	sld [smem:$0x3FFE];
	[sflag:s23] =	ssyncadd.s32 $0xFFFFFFFF  }
0xa5: {  	s26 =	simm.s32 $execute0_lowered;
	[smem:$0x3FD2] =	sst s25  }
0xa6: {  	s4 =	sshll.u32 s26, $0x1;
	_ =	strace $0x80000046;
	[dreg:$0x1] =	wrdreg $0xFFFFFFFF  }
0xa7: {  	s28 =	simm.s32 $_size_execute0_lowered;
	s2 =	sadd.s32 s2, s4;
	[dreg:$0x0] =	wrdreg $0x0  }
0xa8: {  	s4 =	sshll.u32 s28, $0x1;
	[dreg:$0x2] =	wrdreg s2  }
0xa9: {  	[dreg:$0x3] =	wrdreg s4  }
0xaa: {  	[dreg:$0x4] =	wrdreg $0xC0  }
0xab: {  	_ =	task [dreg:s6], $0x5FFFF  }
0xac: {  	[dreg:$0x1] =	wrdreg $0xFFFFFFFF  }
0xad: {  	[dreg:$0x0] =	wrdreg $0x60  }
0xae: {  	[dreg:$0x2] =	wrdreg s24  }
0xaf: {  	[dreg:$0x3] =	wrdreg $0x9  }
0xb0: {  	_ =	task.clear_ibuf [dreg:s6], $0x4FFFF;
	_ =	strace $0x90000046  }
0xb1: {  	s29 =	simm.s32 $0x9;
	_ =	strace $0x80000048  }
0xb2: {  	_ =	swait.ge [sflag:s29], $0x1  }
0xb3: {  	[sflag:s29] =	ssyncadd.s32 $0xFFFFFFFF  }
0xb4: {  	_ =	strace $0x90000048  }
0xb5: {  	_ =	sfence  }
0xb6: {  	s30 =	sld [smem:$0x0];
	_ =	sdelay $0x2  }
0xb7: {  	s31 =	sshll.u32 s1, $0xD;
	s1 =	sshrl.u32 s1, $0x2  }
0xb8: {  	s3 =	sand.u32 $0x4000, s31;
	s1 =	sadd.s32 s1, s30  }
0xb9: {  	s0 =	sor.u32 s3, s0;
	s1 =	sshll.u32 s1, $0x11  }
0xba: {  	s0 =	sor.u32 s1, s0  }
0xbb: {  	s0 =	sadd.s32 $0x8F2B, s0  }
0xbc: {  	[sflag:s0] =	ssyncadd.remote.s32 $0x1  }
0xbd: {  	_ =	sfence.sel $0xFFFF  }
0xbe: {  	[dreg:$0x0] =	wrdreg $0xFFFFFFFF;
	(pc) =	sbr.abs _section_cstart, $3  }
0xbf: {  	[dreg:$0x1] =	wrdreg $0xFFFFFFFF  }
0xc0: {  	_ =	task.clear_ibuf [dreg:s6], $0x2FFFF;
	_ =	strace $0x9FFFFFFF  }
0xc1: {  	(tm) =	ssettm $0x7FFFFFFF  }
tec
execute0_lowered:
.L_overlay_start_1:
0x0: {  	(tag) =	ssettag $0x1  }
0x1: {  	s0 =	srdreg.scid  }
0x2: {  	s4 =	rddreg [dreg:$0x0];
	s3 =	sand.u32 $0x1, s0  }
0x3: {  	s1 =	stileid.u32;
	s7 =	simm.s32 $0x1;
	s2 =	sshll.u32 s3, $0x4  }
0x4: {  	s0 =	rddreg [dreg:$0x1];
	s3 =	ssub.s32 $0x2, s3;
	s5 =	sor.u32 s1, s2  }
0x5: {  	s2 =	simm.s32 $0x0;
	s6 =	sshrl.u32 s3, $0x1;
	s5 =	smul.u32 $0x500, s5  }
0x6: {  	s8 =	simm.s32 $0x0;
	[smem:$0x7FF] =	sst s2;
	s31 =	ssub.s32 s3, s6  }
0x7: {  	s6 =	simm.s32 $0x2800;
	_ =	strace $0x80000047;
	s4 =	sadd.s32 s5, s4  }
0x8: {  	v0 =	vimm.f32 $0.0e+00;
	v1 =	vimm.f32 $1.000000000e+00;
	s5 =	smax.u32 s31, $0x1;
	s3 =	sadd.s32 $0x3200, s4;
	s4 =	sadd.s32 $0x17200, s4  }
.LBB2_1:
0x9: {  	s9 =	simm.s32 $0x40;
	s10 =	simm.s32 $0x0  }
.LBB2_2:
0xa: {  	p0 =	sne.s32 s9, $0x9FC0;
	[tilespmem:s10+$0x0] =	vst v0;
	s10 =	smov.u32 s9;
	s9 =	sadd.s32 $0x40, s9  }
.Ltmp0:
0xb: {  	(pc) =	sbr.rel @p0 .LBB2_2-.Ltmp0, $2  }
0xc: {  	_ =	sdelay $0x2  }
0xd: {  	s10 =	sshra.s32 s10, $0x2  }
0xe: {  	[tilespmem:s10+$0x0] =	vst v0;
	s9 =	simm.s32 $0x0  }
0xf: {  	[tilespmem:s6], [sflag:$0x1] =	stream.linear.gather [hbm4b:s3+s9], $0x2800, $0x38;
	[tilespmem:$0x5000] =	vst v63  }
0x10: {  	_ =	swait.ge [sflag:s7], $0x2800  }
0x11: {  	[sflag:s7] =	ssyncset.done $0x0  }
0x12: {  	[sflag:s7] =	ssyncadd.s32 $0xFFFFD800  }
.LBB2_4:
0x13: {  	s10 =	sshra.s32 s9, $0x2  }
0x14: {  	v2 =	vld [tilespmem:s10+$0x2800];
	_ =	sdelay $0x7  }
0x15: {  	[tilespmem:v2+s2+$0x0] =	vst.idx.add.f32.msk $0xffff, v1  }
0x16: {  	v2 =	vld [tilespmem:s10+$0x2810];
	_ =	sdelay $0x7  }
0x17: {  	[tilespmem:v2+s2+$0x0] =	vst.idx.add.f32.msk $0xffff, v1  }
0x18: {  	v2 =	vld [tilespmem:s10+$0x2820];
	_ =	sdelay $0x7  }
0x19: {  	[tilespmem:v2+s2+$0x0] =	vst.idx.add.f32.msk $0xffff, v1  }
0x1a: {  	v2 =	vld [tilespmem:s10+$0x2830];
	_ =	sdelay $0x7  }
0x1b: {  	[tilespmem:v2+s2+$0x0] =	vst.idx.add.f32.msk $0xffff, v1  }
0x1c: {  	v2 =	vld [tilespmem:s10+$0x2840];
	_ =	sdelay $0x7  }
0x1d: {  	[tilespmem:v2+s2+$0x0] =	vst.idx.add.f32.msk $0xffff, v1  }
0x1e: {  	v2 =	vld [tilespmem:s10+$0x2850];
	_ =	sdelay $0x7  }
0x1f: {  	[tilespmem:v2+s2+$0x0] =	vst.idx.add.f32.msk $0xffff, v1  }
0x20: {  	v2 =	vld [tilespmem:s10+$0x2860];
	_ =	sdelay $0x7  }
0x21: {  	[tilespmem:v2+s2+$0x0] =	vst.idx.add.f32.msk $0xffff, v1  }
0x22: {  	v2 =	vld [tilespmem:s10+$0x2870];
	_ =	sdelay $0x2  }
0x23: {  	p0 =	sne.s32 s9, $0x9E00  }
.Ltmp1:
0x24: {  	_ = 	snop;
	(pc) =	sbr.rel @p0 .LBB2_4-.Ltmp1, $2  }
0x25: {  	_ =	sdelay $0x2  }
0x26: {  	s9 =	sadd.s32 $0x200, s9;
	[tilespmem:v2+s2+$0x0] =	vst.idx.add.f32.msk $0xffff, v1  }
0x27: {  	s8 =	sadd.s32 $0x1, s8  }
0x28: {  	p0 =	sne.s32 s8, s5  }
.Ltmp2:
0x29: {  	_ = 	snop;
	(pc) =	sbr.rel @p0 .LBB2_1-.Ltmp2, $4  }
0x2a: {  	[hbm4b:s4+s2] =	stream.linear.scatter [tilespmem:s2], [sflag:$0x1], $0x2800, $0x38;
	[tilespmem:$0x5000] =	vst v63  }
0x2b: {  	_ =	swait.ge [sflag:s7], $0x2800  }
0x2c: {  	[sflag:s7] =	ssyncset.done $0x0  }
0x2d: {  	[sflag:s7] =	ssyncadd.s32 $0xFFFFD800  }
0x2e: {  	_ =	sfence.sel $0x180000  }
0x2f: {  	[bflag:$0x0] =	sbarrier.arrive $0xFFFF  }
0x30: {  	p0 =	sne.s32 s1, $0x0;
	_ =	strace $0x90000047  }
0x31: {  	s0 =	sadd.s32 @!p0 $0x100000, s0;
	[bflag:$0x2] =	sbarrier.arrive $0xFFFF  }
0x32: {  	[sflag:s0] =	ssyncadd.tile.s32 @!p0 $0x1;
	_ =	shalt  }
.Lfunc_end2:
_tile_overlayer_lowered:
.L_overlay_start_2:
0x33: {  	(tag) =	ssettag $0x2  }
0x34: {  	s0 =	rddreg [dreg:$0x0];
	s2 =	stileid.u32  }
0x35: {  	s1 =	rddreg [dreg:$0x1];
	p0 =	sne.s32 s2, $0x0  }
0x36: {  	s3 =	rddreg [dreg:$0x2];
	[bflag:$0x3] =	sbarrier.arrive $0xFFFF;
	s2 =	simm.s32 @!p0 $0x1C01  }
0x37: {  	[timem:s3], [sflag:s2] =	dma.local @!p0 [hbm:s0], s1  }
0x38: {  	s0 =	simm.s32 @!p0 $0x1  }
0x39: {  	_ =	swait.ge @!p0 [sflag:s0], s1  }
0x3a: {  	s1 =	ssub.s32 @!p0 $0x0, s1;
	[sflag:s0] =	ssyncset.done @!p0 $0x0  }
0x3b: {  	[sflag:s0] =	ssyncadd.s32 @!p0 s1  }
0x3c: {  	[bflag:$0x3] =	sbarrier.arrive $0xFFFF  }
0x3d: {  	_ =	shalt  }

// kernel: kernel.14.cloned.1.call-start
scs
__scs_entry_jumppad:
0x0: {  	(pc) =	sbr.rel $0x88, $3  }
0x1: {  	(tag) =	ssettag $0x0;
	lr =	simm.s32 $0x1  }
0x2: {  	[smem:$0x3F96] =	sst lr;
	_ =	strace $0xD0000000  }
0x3: {  	_ = 	snop  }
0x4: {  	_ = 	snop  }
0x5: {  	_ = 	snop  }
0x6: {  	_ = 	snop  }
0x7: {  	_ = 	snop  }
__scs_overlays_trampoline_lowered:
0x8: {  	[smem:$0x3FA5] =	sst s0  }
0x9: {  	[smem:$0x3FA6] =	sst s1  }
0xa: {  	[smem:$0x3FA7] =	sst s2  }
0xb: {  	[smem:$0x3FA8] =	sst s3  }
0xc: {  	[smem:$0x3FA9] =	sst s4  }
0xd: {  	[smem:$0x3FAA] =	sst s5  }
0xe: {  	[smem:$0x3FAB] =	sst s6  }
0xf: {  	[smem:$0x3FAC] =	sst s7  }
0x10: {  	[smem:$0x3FAD] =	sst s8  }
0x11: {  	[smem:$0x3FAE] =	sst s9;
	s0 =	simm.s32 @!p0 $0x0  }
0x12: {  	s1 =	sld [smem:$0x3F94];
	s0 =	simm.s32 @p0 $0x1  }
0x13: {  	[smem:$0x3FAF] =	sst s0;
	s0 =	simm.s32 @!p1 $0x0  }
0x14: {  	s2 =	sld [smem:$0x3F93];
	s0 =	simm.s32 @p1 $0x1  }
0x15: {  	[smem:$0x3FB0] =	sst s0;
	s0 =	simm.s32 @!p2 $0x0  }
0x16: {  	s3 =	sld [smem:$0x3FDB];
	s0 =	simm.s32 @p2 $0x1  }
0x17: {  	s4 =	simm.s32 $0x1BF5;
	[smem:$0x3FB2] =	sst s0  }
0x18: {  	s0 =	sld [smem:$0x3F95];
	_ =	swait.ge [sflag:s4], $0x0  }
0x19: {  	s7 =	sld [smem:$0x3F96]  }
0x1a: {  	s8 =	sadd.s32 $0xFFFFE003, lr  }
0x1b: {  	s9 =	sadd.s32 $0xFFFFFEF7, lr;
	s5 =	simm.s32 $0xFFFFFFFF;
	p2 =	slt.u32 s8, $0xFFFFF086  }
0x1c: {  	p1 =	slt.u32 s9, $0xF7A;
	s5 =	simm.s32 @!p2 $0x0  }
0x1d: {  	s5 =	simm.s32 @p1 $0x1;
	p0 =	seq.s32 s7, s2  }
0x1e: {  	s7 =	smul.u32 @!p0 $0xF7A, s2;
	p2 =	seq.s32 @!p0 s5, $0x0  }
0x1f: {  	s9 =	smul.u32 $0xF7A, s1;
	s8 =	simm.s32 @!p0 $0x1BF5;
	p2 =	por !p2, p0  }
0x20: {  	[sflag:s8] =	ssyncset.s32 @!p0 $0xFFFFF086;
	s6 =	sadd.s32 @!p0 s3, s7;
	s7 =	simm.s32 @!p0 $0x108  }
0x21: {  	s3 =	sadd.s32 s3, s9;
	s6 =	sadd.s32 @!p0 $0x88, s6;
	s7 =	simm.s32 @p2 $0x1082  }
0x22: {  	[simem:s7], [sflag:s8] =	dma.local @!p0 [hbm:s6], $0xF7A  }
0x23: {  	s9 =	sor.u32 $0xD0000000, s2;
	s6 =	simm.s32 $0x108;
	_ =	swait.ge @!p0 [sflag:s8], $0x0  }
0x24: {  	s3 =	sadd.s32 $0x88, s3;
	s6 =	simm.s32 @!p1 $0x1082;
	[sflag:s4] =	ssyncset.s32 $0xFFFFF086  }
0x25: {  	[simem:s6], [sflag:s4] =	dma.local [hbm:s3], $0xF7A  }
0x26: {  	[smem:$0x3F96] =	sst s1;
	(tag) =	ssettag s2;
	_ =	strace s9  }
0x27: {  	s1 =	sld [smem:$0x3FA6]  }
0x28: {  	s2 =	sld [smem:$0x3FA7]  }
0x29: {  	s4 =	sld [smem:$0x3FA9]  }
0x2a: {  	p0 =	seq.s32 s5, $0x0;
	s5 =	sld [smem:$0x3FAA]  }
0x2b: {  	s6 =	sld [smem:$0x3FAB]  }
0x2c: {  	s7 =	sld [smem:$0x3FAC]  }
0x2d: {  	s3 =	simm.s32 $0x108;
	s8 =	sld [smem:$0x3FAD]  }
0x2e: {  	s3 =	simm.s32 @!p0 $0x1082;
	s9 =	sld [smem:$0x3FAE]  }
0x2f: {  	lr =	sadd.s32 s0, s3;
	s0 =	sld [smem:$0x3FA5]  }
0x30: {  	s3 =	sld [smem:$0x3FA8]  }
0x31: {  	[smem:$0x3FB1] =	sst s10  }
0x32: {  	s10 =	sld [smem:$0x3FAF];
	_ =	sdelay $0x3  }
0x33: {  	p0 =	seq.s32 s10, $0x1;
	s10 =	sld [smem:$0x3FB1];
	_ =	sdelay $0x3  }
0x34: {  	[smem:$0x3FB1] =	sst s10  }
0x35: {  	s10 =	sld [smem:$0x3FB0];
	_ =	sdelay $0x3  }
0x36: {  	p1 =	seq.s32 s10, $0x1;
	s10 =	sld [smem:$0x3FB1];
	_ =	sdelay $0x3  }
0x37: {  	[smem:$0x3FB1] =	sst s10  }
0x38: {  	s10 =	sld [smem:$0x3FB2]  }
0x39: {  	_ = 	snop;
	(pc) =	sbr.ind lr, $3  }
0x3a: {  	_ = 	snop  }
0x3b: {  	_ = 	snop  }
0x3c: {  	p2 =	seq.s32 s10, $0x1;
	s10 =	sld [smem:$0x3FB1]  }
0x3d: {  	_ =	shalt  }
0x3e: {  	_ =	shalt  }
0x3f: {  	_ =	shalt  }
0x40: {  	_ =	shalt  }
0x41: {  	_ =	shalt  }
0x42: {  	_ =	shalt  }
0x43: {  	_ =	shalt  }
0x44: {  	_ =	shalt  }
0x45: {  	_ =	shalt  }
0x46: {  	_ =	shalt  }
0x47: {  	_ =	shalt  }
0x48: {  	_ =	shalt  }
0x49: {  	_ =	shalt  }
0x4a: {  	_ =	shalt  }
0x4b: {  	_ =	shalt  }
0x4c: {  	_ =	shalt  }
0x4d: {  	_ =	shalt  }
0x4e: {  	_ =	shalt  }
0x4f: {  	_ =	shalt  }
0x50: {  	_ =	shalt  }
0x51: {  	_ =	shalt  }
0x52: {  	_ =	shalt  }
0x53: {  	_ =	shalt  }
0x54: {  	_ =	shalt  }
0x55: {  	_ =	shalt  }
0x56: {  	_ =	shalt  }
0x57: {  	_ =	shalt  }
0x58: {  	_ =	shalt  }
0x59: {  	_ =	shalt  }
0x5a: {  	_ =	shalt  }
0x5b: {  	_ =	shalt  }
0x5c: {  	_ =	shalt  }
0x5d: {  	_ =	shalt  }
0x5e: {  	_ =	shalt  }
0x5f: {  	_ =	shalt  }
0x60: {  	_ =	shalt  }
0x61: {  	_ =	shalt  }
0x62: {  	_ =	shalt  }
0x63: {  	_ =	shalt  }
0x64: {  	_ =	shalt  }
0x65: {  	_ =	shalt  }
0x66: {  	_ =	shalt  }
0x67: {  	_ =	shalt  }
0x68: {  	_ =	shalt  }
0x69: {  	_ =	shalt  }
0x6a: {  	_ =	shalt  }
0x6b: {  	_ =	shalt  }
0x6c: {  	_ =	shalt  }
0x6d: {  	_ =	shalt  }
0x6e: {  	_ =	shalt  }
0x6f: {  	_ =	shalt  }
0x70: {  	_ =	shalt  }
0x71: {  	_ =	shalt  }
0x72: {  	_ =	shalt  }
0x73: {  	_ =	shalt  }
0x74: {  	_ =	shalt  }
0x75: {  	_ =	shalt  }
0x76: {  	_ =	shalt  }
0x77: {  	_ =	shalt  }
0x78: {  	_ =	shalt  }
0x79: {  	_ =	shalt  }
0x7a: {  	_ =	shalt  }
0x7b: {  	_ =	shalt  }
0x7c: {  	_ =	shalt  }
0x7d: {  	_ =	shalt  }
0x7e: {  	_ =	shalt  }
0x7f: {  	_ =	shalt  }
0x80: {  	_ =	shalt  }
0x81: {  	_ =	shalt  }
0x82: {  	_ =	shalt  }
0x83: {  	_ =	shalt  }
0x84: {  	_ =	shalt  }
0x85: {  	_ =	shalt  }
0x86: {  	_ =	shalt  }
0x87: {  	_ =	shalt  }
.Lfunc_end0:
.L_simem_size_0:
called_computation.1_lowered:
.L_overlay_start_0:
0x88: {  	s2 =	sld [smem:$0x3FD9]  }
0x89: {  	s3 =	sld [smem:$0x3FFE];
	_ =	sdelay $0x1  }
0x8a: {  	s1 =	srdreg.scid  }
0x8b: {  	s0 =	sand.u32 $0x1, s1  }
0x8c: {  	s16 =	sshll.u32 s0, $0xA;
	s2 =	sadd.s32 s3, s2  }
0x8d: {  	s2 =	sadd.s32 s2, s16  }
0x8e: {  	[smem:$0x3FBD] =	sst s2  }
0x8f: {  	_ = 	snop  }
0x90: {  	(tm) =	ssettm $0x1  }
0x91: {  	s17 =	sld [smem:$0x3FFB];
	_ =	sdelay $0x3  }
0x92: {  	_ =	strace s17  }
0x93: {  	s2 =	sld [smem:$0x3FFC];
	_ =	sdelay $0x3  }
0x94: {  	_ =	strace s2  }
0x95: {  	s2 =	sld [smem:$0x3FFD];
	_ =	sdelay $0x3  }
0x96: {  	_ =	strace s2  }
0x97: {  	_ =	strace $0x8FFFFFFF  }
0x98: {  	s18 =	sld [smem:$0x3FDB];
	_ =	sdelay $0x1  }
0x99: {  	s19 =	simm.s32 $_scs_section_size  }
0x9a: {  	s4 =	simm.s32 $_size__tile_overlayer_lowered;
	s5 =	simm.s32 $_tile_overlayer_lowered  }
0x9b: {  	s22 =	simm.s32 $0x1BFF;
	s21 =	sshll.u32 s5, $0x1;
	s2 =	sadd.s32 s19, s18  }
0x9c: {  	s6 =	simm.s32 $0x0;
	s20 =	sshll.u32 s4, $0x1;
	s4 =	sadd.s32 s21, s2  }
0x9d: {  	[timem:s6], [sflag:s22] =	dma.local [hbm:s4], s20  }
0x9e: {  	_ =	swait.ge [sflag:s22], s20  }
0x9f: {  	s3 =	ssub.s32 $0x0, s20;
	[sflag:s22] =	ssyncset.done $0x0  }
0xa0: {  	[sflag:s22] =	ssyncadd.s32 s3;
	_ =	sdelay $0x1  }
0xa1: {  	s23 =	simm.s32 $0x1B8B  }
0xa2: {  	_ =	swait.ge [sflag:s23], $0x1  }
0xa3: {  	[sflag:s23] =	ssyncset.done $0x0  }
0xa4: {  	s25 =	simm.s32 $0x1B8E;
	s24 =	sld [smem:$0x3FFE];
	[sflag:s23] =	ssyncadd.s32 $0xFFFFFFFF  }
0xa5: {  	s26 =	simm.s32 $execute0_lowered;
	[smem:$0x3FD2] =	sst s25  }
0xa6: {  	s4 =	sshll.u32 s26, $0x1;
	_ =	strace $0x80000049;
	[dreg:$0x1] =	wrdreg $0xFFFFFFFF  }
0xa7: {  	s28 =	simm.s32 $_size_execute0_lowered;
	s2 =	sadd.s32 s2, s4;
	[dreg:$0x0] =	wrdreg $0x0  }
0xa8: {  	s4 =	sshll.u32 s28, $0x1;
	[dreg:$0x2] =	wrdreg s2  }
0xa9: {  	[dreg:$0x3] =	wrdreg s4  }
0xaa: {  	[dreg:$0x4] =	wrdreg $0xC0  }
0xab: {  	_ =	task [dreg:s6], $0x5FFFF  }
0xac: {  	[dreg:$0x1] =	wrdreg $0xFFFFFFFF  }
0xad: {  	[dreg:$0x0] =	wrdreg $0x60  }
0xae: {  	[dreg:$0x2] =	wrdreg s24  }
0xaf: {  	[dreg:$0x3] =	wrdreg $0xE0000  }
0xb0: {  	[dreg:$0x4] =	wrdreg $0x9  }
0xb1: {  	_ =	task.clear_ibuf [dreg:s6], $0x5FFFF;
	_ =	strace $0x90000049  }
0xb2: {  	s29 =	simm.s32 $0x9;
	_ =	strace $0x8000004B  }
0xb3: {  	_ =	swait.ge [sflag:s29], $0x1  }
0xb4: {  	[sflag:s29] =	ssyncadd.s32 $0xFFFFFFFF  }
0xb5: {  	_ =	strace $0x9000004B  }
0xb6: {  	_ =	sfence  }
0xb7: {  	s30 =	sld [smem:$0x0];
	_ =	sdelay $0x2  }
0xb8: {  	s31 =	sshll.u32 s1, $0xD;
	s1 =	sshrl.u32 s1, $0x2  }
0xb9: {  	s3 =	sand.u32 $0x4000, s31;
	s1 =	sadd.s32 s1, s30  }
0xba: {  	s0 =	sor.u32 s3, s0;
	s1 =	sshll.u32 s1, $0x11  }
0xbb: {  	s0 =	sor.u32 s1, s0  }
0xbc: {  	s0 =	sadd.s32 $0x8F2B, s0  }
0xbd: {  	[sflag:s0] =	ssyncadd.remote.s32 $0x1  }
0xbe: {  	_ =	sfence.sel $0xFFFF  }
0xbf: {  	[dreg:$0x0] =	wrdreg $0xFFFFFFFF;
	(pc) =	sbr.abs _section_cstart, $3  }
0xc0: {  	[dreg:$0x1] =	wrdreg $0xFFFFFFFF  }
0xc1: {  	_ =	task.clear_ibuf [dreg:s6], $0x2FFFF;
	_ =	strace $0x9FFFFFFF  }
0xc2: {  	(tm) =	ssettm $0x7FFFFFFF  }
0xc3: {  	_ =	shalt  }
tec
execute0_lowered:
.L_overlay_start_1:
0x0: {  	(tag) =	ssettag $0x1  }
0x1: {  	s5 =	rddreg [dreg:$0x0]  }
0x2: {  	s0 =	srdreg.scid;
	s2 =	rddreg [dreg:$0x1]  }
0x3: {  	s1 =	stileid.u32;
	s3 =	simm.s32 $0x0;
	s12 =	simm.s32 $0x2800  }
0x4: {  	s13 =	simm.s32 $0x80;
	s14 =	simm.s32 $0x5000;
	s15 =	simm.s32 $0x6000  }
0x5: {  	s16 =	simm.s32 $0x7000;
	s17 =	simm.s32 $0x8000;
	s18 =	simm.s32 $0x1  }
0x6: {  	s19 =	simm.s32 $0x2;
	s20 =	simm.s32 $0x3;
	s21 =	simm.s32 $0x4  }
0x7: {  	s4 =	sand.u32 $0x1, s0;
	s0 =	rddreg [dreg:$0x2];
	s7 =	smul.u32 $0x5000, s1  }
0x8: {  	[smem:$0x7FF] =	sst s3;
	s6 =	sshll.u32 s4, $0x4;
	s8 =	smul.u32 $0x50000, s4  }
0x9: {  	_ =	strace $0x8000004A;
	s30 =	ssub.s32 $0x2, s4;
	s6 =	sor.u32 s1, s6  }
0xa: {  	s31 =	sshrl.u32 s30, $0x1;
	s6 =	smul.u32 $0x500, s6;
	s8 =	sadd.s32 s7, s8  }
0xb: {  	s4 =	sadd.s32 $0x3F200, s5;
	s11 =	ssub.s32 s30, s31;
	s29 =	sshrl.u32 s8, $0x3  }
0xc: {  	s9 =	sadd.s32 s6, s5;
	s10 =	sadd.s32 s29, s5;
	s5 =	sadd.s32 s7, s2  }
0xd: {  	s6 =	sadd.s32 $0xD200, s9;
	s7 =	sadd.s32 $0x3200, s9;
	s8 =	sadd.s32 $0x49200, s10  }
0xe: {  	v0 =	vimm.f32 $0.0e+00;
	s9 =	smax.u32 s11, $0x1;
	s10 =	simm.s32 $0x9000;
	s11 =	simm.s32 $0x5  }
.LBB2_1:
0xf: {  	s22 =	simm.s32 $0x80;
	s23 =	simm.s32 $0x0  }
.LBB2_2:
0x10: {  	p0 =	sne.s32 s22, $0x13F80;
	[tilespmem:s23+$0x9000] =	vst v0;
	s24 =	smov.u32 s22;
	s22 =	sadd.s32 $0x80, s22  }
.Ltmp0:
0x11: {  	[tilespmem:s23+$0x9010] =	vst v0;
	(pc) =	sbr.rel @p0 .LBB2_2-.Ltmp0, $2  }
0x12: {  	_ =	sdelay $0x2  }
0x13: {  	s23 =	sshra.s32 s24, $0x2  }
0x14: {  	[tilespmem:s23+$0x9000] =	vst v0  }
0x15: {  	[tilespmem:s23+$0x9010] =	vst v0  }
0x16: {  	[spmem:s5] =	stream.linear.scatter [tilespmem:s10], [sflag:$0x5], $0x5000, $0x38;
	[tilespmem:$0x13000] =	vst v63  }
0x17: {  	_ =	swait.ge [sflag:s11], $0x5000  }
0x18: {  	[sflag:s11] =	ssyncset.done $0x0  }
0x19: {  	[sflag:s11] =	ssyncadd.s32 $0xFFFFB000  }
0x1a: {  	s22 =	simm.s32 $0x0;
	[bflag:$0x0] =	sbarrier.arrive $0xFFFF  }
0x1b: {  	[tilespmem:s22], [sflag:$0x5] =	stream.linear.gather [hbm4b:s6+s22], $0x2800, $0x38;
	[tilespmem:$0x13000] =	vst v63  }
0x1c: {  	_ =	swait.ge [sflag:s11], $0x2800  }
0x1d: {  	[sflag:s11] =	ssyncset.done $0x0  }
0x1e: {  	[sflag:s11] =	ssyncadd.s32 $0xFFFFD800  }
0x1f: {  	[tilespmem:s12], [sflag:$0x5] =	stream.linear.gather [hbm4b:s7+s22], $0x2800, $0x38;
	[tilespmem:$0x13000] =	vst v63  }
0x20: {  	_ =	swait.ge [sflag:s11], $0x2800  }
0x21: {  	[sflag:s11] =	ssyncset.done $0x0  }
0x22: {  	s23 =	simm.s32 $0x0;
	[sflag:s11] =	ssyncadd.s32 $0xFFFFD800  }
0x23: {  	[tilespmem:s14], [sflag:$0x1] =	stream.indirect.gather [hbm4b:s4+s13], $0x20, s23, s13, $0xb8;
	[tilespmem:$0x13000] =	vst v63  }
0x24: {  	s24 =	simm.s32 $0x80  }
0x25: {  	[tilespmem:s15], [sflag:$0x2] =	stream.indirect.gather [hbm4b:s4+s13], $0x20, s24, s13, $0xb8;
	[tilespmem:$0x13000] =	vst v63  }
0x26: {  	s25 =	simm.s32 $0x100  }
0x27: {  	[tilespmem:s16], [sflag:$0x3] =	stream.indirect.gather [hbm4b:s4+s13], $0x20, s25, s13, $0xb8;
	[tilespmem:$0x13000] =	vst v63  }
0x28: {  	s26 =	simm.s32 $0x180  }
0x29: {  	[tilespmem:s17], [sflag:$0x4] =	stream.indirect.gather [hbm4b:s4+s13], $0x20, s26, s13, $0xb8;
	[tilespmem:$0x13000] =	vst v63  }
0x2a: {  	_ =	swait.ge [sflag:s18], $0x1000  }
0x2b: {  	[sflag:s18] =	ssyncset.done $0x0  }
0x2c: {  	s28 =	simm.s32 $0x2800;
	[sflag:s18] =	ssyncadd.s32 $0xFFFFF000  }
0x2d: {  	[spmem:s2] =	stream.indirect.scatter.add.f32 [tilespmem:s14], [sflag:$0x5], $0x20, s28, s13, $0xb8;
	[tilespmem:$0x13000] =	vst v63  }
0x2e: {  	_ =	swait.ge [sflag:s11], $0x1000  }
0x2f: {  	[sflag:s11] =	ssyncset.done $0x0  }
0x30: {  	[sflag:s11] =	ssyncadd.s32 $0xFFFFF000  }
0x31: {  	_ =	swait.ge [sflag:s19], $0x1000  }
0x32: {  	[sflag:s19] =	ssyncset.done $0x0  }
0x33: {  	s29 =	simm.s32 $0x2880;
	[sflag:s19] =	ssyncadd.s32 $0xFFFFF000  }
0x34: {  	[spmem:s2] =	stream.indirect.scatter.add.f32 [tilespmem:s15], [sflag:$0x5], $0x20, s29, s13, $0xb8;
	[tilespmem:$0x13000] =	vst v63  }
0x35: {  	_ =	swait.ge [sflag:s11], $0x1000  }
0x36: {  	[sflag:s11] =	ssyncset.done $0x0  }
0x37: {  	[sflag:s11] =	ssyncadd.s32 $0xFFFFF000  }
0x38: {  	_ =	swait.ge [sflag:s20], $0x1000  }
0x39: {  	[sflag:s20] =	ssyncset.done $0x0  }
0x3a: {  	s30 =	simm.s32 $0x2900;
	[sflag:s20] =	ssyncadd.s32 $0xFFFFF000  }
0x3b: {  	[spmem:s2] =	stream.indirect.scatter.add.f32 [tilespmem:s16], [sflag:$0x5], $0x20, s30, s13, $0xb8;
	[tilespmem:$0x13000] =	vst v63  }
0x3c: {  	_ =	swait.ge [sflag:s11], $0x1000  }
0x3d: {  	[sflag:s11] =	ssyncset.done $0x0  }
0x3e: {  	[sflag:s11] =	ssyncadd.s32 $0xFFFFF000  }
0x3f: {  	_ =	swait.ge [sflag:s21], $0x1000  }
0x40: {  	[sflag:s21] =	ssyncset.done $0x0  }
0x41: {  	s31 =	simm.s32 $0x2980;
	[sflag:s21] =	ssyncadd.s32 $0xFFFFF000  }
0x42: {  	[spmem:s2] =	stream.indirect.scatter.add.f32 [tilespmem:s17], [sflag:$0x5], $0x20, s31, s13, $0xb8;
	[tilespmem:$0x13000] =	vst v63  }
0x43: {  	_ =	swait.ge [sflag:s11], $0x1000  }
0x44: {  	s22 =	simm.s32 $0x800;
	s25 =	simm.s32 $0x1000;
	[sflag:s11] =	ssyncset.done $0x0  }
.LBB2_4:
0x45: {  	s24 =	sshra.s32 s22, $0x2  }
0x46: {  	[sflag:s11] =	ssyncadd.s32 $0xFFFFF000;
	s22 =	smov.u32 s25;
	s23 =	sadd.s32 $0x800, s25  }
0x47: {  	[tilespmem:s14], [sflag:$0x1] =	stream.indirect.gather [hbm4b:s4+s13], $0x20, s24, s13, $0xb8;
	[tilespmem:$0x13000] =	vst v63  }
0x48: {  	p0 =	sne.s32 s25, $0x9800;
	s25 =	sadd.s32 $0x80, s24  }
0x49: {  	[tilespmem:s15], [sflag:$0x2] =	stream.indirect.gather [hbm4b:s4+s13], $0x20, s25, s13, $0xb8;
	[tilespmem:$0x13000] =	vst v63  }
0x4a: {  	s25 =	sadd.s32 $0x100, s24  }
0x4b: {  	[tilespmem:s16], [sflag:$0x3] =	stream.indirect.gather [hbm4b:s4+s13], $0x20, s25, s13, $0xb8;
	[tilespmem:$0x13000] =	vst v63  }
0x4c: {  	s25 =	sadd.s32 $0x180, s24  }
0x4d: {  	[tilespmem:s17], [sflag:$0x4] =	stream.indirect.gather [hbm4b:s4+s13], $0x20, s25, s13, $0xb8;
	[tilespmem:$0x13000] =	vst v63  }
0x4e: {  	_ =	swait.ge [sflag:s18], $0x1000  }
0x4f: {  	[sflag:s18] =	ssyncset.done $0x0  }
0x50: {  	s25 =	sadd.s32 $0x2800, s24;
	[sflag:s18] =	ssyncadd.s32 $0xFFFFF000  }
0x51: {  	[spmem:s2] =	stream.indirect.scatter.add.f32 [tilespmem:s14], [sflag:$0x5], $0x20, s25, s13, $0xb8;
	[tilespmem:$0x13000] =	vst v63  }
0x52: {  	_ =	swait.ge [sflag:s11], $0x1000  }
0x53: {  	[sflag:s11] =	ssyncset.done $0x0  }
0x54: {  	[sflag:s11] =	ssyncadd.s32 $0xFFFFF000  }
0x55: {  	_ =	swait.ge [sflag:s19], $0x1000  }
0x56: {  	[sflag:s19] =	ssyncset.done $0x0  }
0x57: {  	s25 =	sadd.s32 $0x2880, s24;
	[sflag:s19] =	ssyncadd.s32 $0xFFFFF000  }
0x58: {  	[spmem:s2] =	stream.indirect.scatter.add.f32 [tilespmem:s15], [sflag:$0x5], $0x20, s25, s13, $0xb8;
	[tilespmem:$0x13000] =	vst v63  }
0x59: {  	_ =	swait.ge [sflag:s11], $0x1000  }
0x5a: {  	[sflag:s11] =	ssyncset.done $0x0  }
0x5b: {  	[sflag:s11] =	ssyncadd.s32 $0xFFFFF000  }
0x5c: {  	_ =	swait.ge [sflag:s20], $0x1000  }
0x5d: {  	[sflag:s20] =	ssyncset.done $0x0  }
0x5e: {  	s25 =	sadd.s32 $0x2900, s24;
	[sflag:s20] =	ssyncadd.s32 $0xFFFFF000  }
0x5f: {  	[spmem:s2] =	stream.indirect.scatter.add.f32 [tilespmem:s16], [sflag:$0x5], $0x20, s25, s13, $0xb8;
	[tilespmem:$0x13000] =	vst v63  }
0x60: {  	_ =	swait.ge [sflag:s11], $0x1000  }
0x61: {  	[sflag:s11] =	ssyncset.done $0x0  }
0x62: {  	[sflag:s11] =	ssyncadd.s32 $0xFFFFF000  }
0x63: {  	_ =	swait.ge [sflag:s21], $0x1000  }
.Ltmp1:
0x64: {  	[sflag:s21] =	ssyncset.done $0x0;
	(pc) =	sbr.rel @p0 .LBB2_4-.Ltmp1, $4  }
0x65: {  	s24 =	sadd.s32 $0x2980, s24;
	[sflag:s21] =	ssyncadd.s32 $0xFFFFF000  }
0x66: {  	[spmem:s2] =	stream.indirect.scatter.add.f32 [tilespmem:s17], [sflag:$0x5], $0x20, s24, s13, $0xb8;
	[tilespmem:$0x13000] =	vst v63  }
0x67: {  	_ =	swait.ge [sflag:s11], $0x1000  }
0x68: {  	s25 =	smov.u32 s23;
	[sflag:s11] =	ssyncset.done $0x0  }
0x69: {  	s22 =	sshra.s32 s22, $0x2;
	[sflag:s11] =	ssyncadd.s32 $0xFFFFF000  }
0x6a: {  	[tilespmem:s14], [sflag:$0x1] =	stream.indirect.gather [hbm4b:s4+s13], $0x20, s22, s13, $0xb8;
	[tilespmem:$0x13000] =	vst v63  }
0x6b: {  	s23 =	sadd.s32 $0x80, s22  }
0x6c: {  	[tilespmem:s15], [sflag:$0x2] =	stream.indirect.gather [hbm4b:s4+s13], $0x20, s23, s13, $0xb8;
	[tilespmem:$0x13000] =	vst v63  }
0x6d: {  	s24 =	sadd.s32 $0x100, s22  }
0x6e: {  	[tilespmem:s16], [sflag:$0x3] =	stream.indirect.gather [hbm4b:s4+s13], $0x20, s24, s13, $0xb8;
	[tilespmem:$0x13000] =	vst v63  }
0x6f: {  	s25 =	sadd.s32 $0x180, s22  }
0x70: {  	[tilespmem:s17], [sflag:$0x4] =	stream.indirect.gather [hbm4b:s4+s13], $0x20, s25, s13, $0xb8;
	[tilespmem:$0x13000] =	vst v63  }
0x71: {  	_ =	swait.ge [sflag:s18], $0x1000  }
0x72: {  	[sflag:s18] =	ssyncset.done $0x0  }
0x73: {  	s26 =	sadd.s32 $0x2800, s22;
	[sflag:s18] =	ssyncadd.s32 $0xFFFFF000  }
0x74: {  	[spmem:s2] =	stream.indirect.scatter.add.f32 [tilespmem:s14], [sflag:$0x5], $0x20, s26, s13, $0xb8;
	[tilespmem:$0x13000] =	vst v63  }
0x75: {  	_ =	swait.ge [sflag:s11], $0x1000  }
0x76: {  	[sflag:s11] =	ssyncset.done $0x0  }
0x77: {  	[sflag:s11] =	ssyncadd.s32 $0xFFFFF000  }
0x78: {  	_ =	swait.ge [sflag:s19], $0x1000  }
0x79: {  	[sflag:s19] =	ssyncset.done $0x0  }
0x7a: {  	s28 =	sadd.s32 $0x2880, s22;
	[sflag:s19] =	ssyncadd.s32 $0xFFFFF000  }
0x7b: {  	[spmem:s2] =	stream.indirect.scatter.add.f32 [tilespmem:s15], [sflag:$0x5], $0x20, s28, s13, $0xb8;
	[tilespmem:$0x13000] =	vst v63  }
0x7c: {  	_ =	swait.ge [sflag:s11], $0x1000  }
0x7d: {  	[sflag:s11] =	ssyncset.done $0x0  }
0x7e: {  	[sflag:s11] =	ssyncadd.s32 $0xFFFFF000  }
0x7f: {  	_ =	swait.ge [sflag:s20], $0x1000  }
0x80: {  	[sflag:s20] =	ssyncset.done $0x0  }
0x81: {  	s29 =	sadd.s32 $0x2900, s22;
	[sflag:s20] =	ssyncadd.s32 $0xFFFFF000  }
0x82: {  	[spmem:s2] =	stream.indirect.scatter.add.f32 [tilespmem:s16], [sflag:$0x5], $0x20, s29, s13, $0xb8;
	[tilespmem:$0x13000] =	vst v63  }
0x83: {  	_ =	swait.ge [sflag:s11], $0x1000  }
0x84: {  	[sflag:s11] =	ssyncset.done $0x0  }
0x85: {  	[sflag:s11] =	ssyncadd.s32 $0xFFFFF000  }
0x86: {  	_ =	swait.ge [sflag:s21], $0x1000  }
0x87: {  	[sflag:s21] =	ssyncset.done $0x0  }
0x88: {  	s22 =	sadd.s32 $0x2980, s22;
	[sflag:s21] =	ssyncadd.s32 $0xFFFFF000  }
0x89: {  	[spmem:s2] =	stream.indirect.scatter.add.f32 [tilespmem:s17], [sflag:$0x5], $0x20, s22, s13, $0xb8;
	[tilespmem:$0x13000] =	vst v63  }
0x8a: {  	_ =	swait.ge [sflag:s11], $0x1000  }
0x8b: {  	s30 =	sshll.u32 s1, $0x6;
	s3 =	sadd.s32 $0x1, s3;
	[sflag:s11] =	ssyncset.done $0x0  }
0x8c: {  	s31 =	sshrl.u32 s5, $0x3;
	p0 =	sne.s32 s3, s9;
	[sflag:s11] =	ssyncadd.s32 $0xFFFFF000  }
.Ltmp2:
0x8d: {  	s22 =	sor.u32 $0x1C05, s30;
	[bflag:$0x0] =	sbarrier.arrive $0xFFFF;
	(pc) =	sbr.rel @p0 .LBB2_1-.Ltmp2, $4  }
0x8e: {  	[hbm:s8], [sflag:s22] =	dma.local [spmem:s31], $0xA00  }
0x8f: {  	_ =	swait.ge [sflag:s11], $0xA00  }
0x90: {  	[sflag:s11] =	ssyncset.done $0x0  }
0x91: {  	[sflag:s11] =	ssyncadd.s32 $0xFFFFF600  }
0x92: {  	_ =	sfence.sel $0x180000  }
0x93: {  	[bflag:$0x0] =	sbarrier.arrive $0xFFFF  }
0x94: {  	p0 =	sne.s32 s1, $0x0;
	_ =	strace $0x9000004A  }
0x95: {  	s0 =	sadd.s32 @!p0 $0x100000, s0;
	[bflag:$0x2] =	sbarrier.arrive $0xFFFF  }
0x96: {  	[sflag:s0] =	ssyncadd.tile.s32 @!p0 $0x1;
	_ =	shalt  }
.Lfunc_end2:
_tile_overlayer_lowered:
.L_overlay_start_2:
0x97: {  	(tag) =	ssettag $0x2  }
0x98: {  	s0 =	rddreg [dreg:$0x0];
	s2 =	stileid.u32  }
0x99: {  	s1 =	rddreg [dreg:$0x1];
	p0 =	sne.s32 s2, $0x0  }
0x9a: {  	s3 =	rddreg [dreg:$0x2];
	[bflag:$0x3] =	sbarrier.arrive $0xFFFF;
	s2 =	simm.s32 @!p0 $0x1C05  }
0x9b: {  	[timem:s3], [sflag:s2] =	dma.local @!p0 [hbm:s0], s1  }
0x9c: {  	s0 =	simm.s32 @!p0 $0x5  }
0x9d: {  	_ =	swait.ge @!p0 [sflag:s0], s1  }
0x9e: {  	s1 =	ssub.s32 @!p0 $0x0, s1;
	[sflag:s0] =	ssyncset.done @!p0 $0x0  }
0x9f: {  	[sflag:s0] =	ssyncadd.s32 @!p0 s1  }
0xa0: {  	[bflag:$0x3] =	sbarrier.arrive $0xFFFF  }
0xa1: {  	_ =	shalt  }

// kernel: kernel.17.cloned.1.call-start
scs
__scs_entry_jumppad:
0x0: {  	(pc) =	sbr.rel $0x88, $3  }
0x1: {  	(tag) =	ssettag $0x0;
	lr =	simm.s32 $0x1  }
0x2: {  	[smem:$0x3F96] =	sst lr;
	_ =	strace $0xD0000000  }
0x3: {  	_ = 	snop  }
0x4: {  	_ = 	snop  }
0x5: {  	_ = 	snop  }
0x6: {  	_ = 	snop  }
0x7: {  	_ = 	snop  }
__scs_overlays_trampoline_lowered:
0x8: {  	[smem:$0x3FA5] =	sst s0  }
0x9: {  	[smem:$0x3FA6] =	sst s1  }
0xa: {  	[smem:$0x3FA7] =	sst s2  }
0xb: {  	[smem:$0x3FA8] =	sst s3  }
0xc: {  	[smem:$0x3FA9] =	sst s4  }
0xd: {  	[smem:$0x3FAA] =	sst s5  }
0xe: {  	[smem:$0x3FAB] =	sst s6  }
0xf: {  	[smem:$0x3FAC] =	sst s7  }
0x10: {  	[smem:$0x3FAD] =	sst s8  }
0x11: {  	[smem:$0x3FAE] =	sst s9;
	s0 =	simm.s32 @!p0 $0x0  }
0x12: {  	s1 =	sld [smem:$0x3F94];
	s0 =	simm.s32 @p0 $0x1  }
0x13: {  	[smem:$0x3FAF] =	sst s0;
	s0 =	simm.s32 @!p1 $0x0  }
0x14: {  	s2 =	sld [smem:$0x3F93];
	s0 =	simm.s32 @p1 $0x1  }
0x15: {  	[smem:$0x3FB0] =	sst s0;
	s0 =	simm.s32 @!p2 $0x0  }
0x16: {  	s3 =	sld [smem:$0x3FDB];
	s0 =	simm.s32 @p2 $0x1  }
0x17: {  	s4 =	simm.s32 $0x1BF5;
	[smem:$0x3FB2] =	sst s0  }
0x18: {  	s0 =	sld [smem:$0x3F95];
	_ =	swait.ge [sflag:s4], $0x0  }
0x19: {  	s7 =	sld [smem:$0x3F96]  }
0x1a: {  	s8 =	sadd.s32 $0xFFFFE003, lr  }
0x1b: {  	s9 =	sadd.s32 $0xFFFFFEF7, lr;
	s5 =	simm.s32 $0xFFFFFFFF;
	p2 =	slt.u32 s8, $0xFFFFF086  }
0x1c: {  	p1 =	slt.u32 s9, $0xF7A;
	s5 =	simm.s32 @!p2 $0x0  }
0x1d: {  	s5 =	simm.s32 @p1 $0x1;
	p0 =	seq.s32 s7, s2  }
0x1e: {  	s7 =	smul.u32 @!p0 $0xF7A, s2;
	p2 =	seq.s32 @!p0 s5, $0x0  }
0x1f: {  	s9 =	smul.u32 $0xF7A, s1;
	s8 =	simm.s32 @!p0 $0x1BF5;
	p2 =	por !p2, p0  }
0x20: {  	[sflag:s8] =	ssyncset.s32 @!p0 $0xFFFFF086;
	s6 =	sadd.s32 @!p0 s3, s7;
	s7 =	simm.s32 @!p0 $0x108  }
0x21: {  	s3 =	sadd.s32 s3, s9;
	s6 =	sadd.s32 @!p0 $0x88, s6;
	s7 =	simm.s32 @p2 $0x1082  }
0x22: {  	[simem:s7], [sflag:s8] =	dma.local @!p0 [hbm:s6], $0xF7A  }
0x23: {  	s9 =	sor.u32 $0xD0000000, s2;
	s6 =	simm.s32 $0x108;
	_ =	swait.ge @!p0 [sflag:s8], $0x0  }
0x24: {  	s3 =	sadd.s32 $0x88, s3;
	s6 =	simm.s32 @!p1 $0x1082;
	[sflag:s4] =	ssyncset.s32 $0xFFFFF086  }
0x25: {  	[simem:s6], [sflag:s4] =	dma.local [hbm:s3], $0xF7A  }
0x26: {  	[smem:$0x3F96] =	sst s1;
	(tag) =	ssettag s2;
	_ =	strace s9  }
0x27: {  	s1 =	sld [smem:$0x3FA6]  }
0x28: {  	s2 =	sld [smem:$0x3FA7]  }
0x29: {  	s4 =	sld [smem:$0x3FA9]  }
0x2a: {  	p0 =	seq.s32 s5, $0x0;
	s5 =	sld [smem:$0x3FAA]  }
0x2b: {  	s6 =	sld [smem:$0x3FAB]  }
0x2c: {  	s7 =	sld [smem:$0x3FAC]  }
0x2d: {  	s3 =	simm.s32 $0x108;
	s8 =	sld [smem:$0x3FAD]  }
0x2e: {  	s3 =	simm.s32 @!p0 $0x1082;
	s9 =	sld [smem:$0x3FAE]  }
0x2f: {  	lr =	sadd.s32 s0, s3;
	s0 =	sld [smem:$0x3FA5]  }
0x30: {  	s3 =	sld [smem:$0x3FA8]  }
0x31: {  	[smem:$0x3FB1] =	sst s10  }
0x32: {  	s10 =	sld [smem:$0x3FAF];
	_ =	sdelay $0x3  }
0x33: {  	p0 =	seq.s32 s10, $0x1;
	s10 =	sld [smem:$0x3FB1];
	_ =	sdelay $0x3  }
0x34: {  	[smem:$0x3FB1] =	sst s10  }
0x35: {  	s10 =	sld [smem:$0x3FB0];
	_ =	sdelay $0x3  }
0x36: {  	p1 =	seq.s32 s10, $0x1;
	s10 =	sld [smem:$0x3FB1];
	_ =	sdelay $0x3  }
0x37: {  	[smem:$0x3FB1] =	sst s10  }
0x38: {  	s10 =	sld [smem:$0x3FB2]  }
0x39: {  	_ = 	snop;
	(pc) =	sbr.ind lr, $3  }
0x3a: {  	_ = 	snop  }
0x3b: {  	_ = 	snop  }
0x3c: {  	p2 =	seq.s32 s10, $0x1;
	s10 =	sld [smem:$0x3FB1]  }
0x3d: {  	_ =	shalt  }
0x3e: {  	_ =	shalt  }
0x3f: {  	_ =	shalt  }
0x40: {  	_ =	shalt  }
0x41: {  	_ =	shalt  }
0x42: {  	_ =	shalt  }
0x43: {  	_ =	shalt  }
0x44: {  	_ =	shalt  }
0x45: {  	_ =	shalt  }
0x46: {  	_ =	shalt  }
0x47: {  	_ =	shalt  }
0x48: {  	_ =	shalt  }
0x49: {  	_ =	shalt  }
0x4a: {  	_ =	shalt  }
0x4b: {  	_ =	shalt  }
0x4c: {  	_ =	shalt  }
0x4d: {  	_ =	shalt  }
0x4e: {  	_ =	shalt  }
0x4f: {  	_ =	shalt  }
0x50: {  	_ =	shalt  }
0x51: {  	_ =	shalt  }
0x52: {  	_ =	shalt  }
0x53: {  	_ =	shalt  }
0x54: {  	_ =	shalt  }
0x55: {  	_ =	shalt  }
0x56: {  	_ =	shalt  }
0x57: {  	_ =	shalt  }
0x58: {  	_ =	shalt  }
0x59: {  	_ =	shalt  }
0x5a: {  	_ =	shalt  }
0x5b: {  	_ =	shalt  }
0x5c: {  	_ =	shalt  }
0x5d: {  	_ =	shalt  }
0x5e: {  	_ =	shalt  }
0x5f: {  	_ =	shalt  }
0x60: {  	_ =	shalt  }
0x61: {  	_ =	shalt  }
0x62: {  	_ =	shalt  }
0x63: {  	_ =	shalt  }
0x64: {  	_ =	shalt  }
0x65: {  	_ =	shalt  }
0x66: {  	_ =	shalt  }
0x67: {  	_ =	shalt  }
0x68: {  	_ =	shalt  }
0x69: {  	_ =	shalt  }
0x6a: {  	_ =	shalt  }
0x6b: {  	_ =	shalt  }
0x6c: {  	_ =	shalt  }
0x6d: {  	_ =	shalt  }
0x6e: {  	_ =	shalt  }
0x6f: {  	_ =	shalt  }
0x70: {  	_ =	shalt  }
0x71: {  	_ =	shalt  }
0x72: {  	_ =	shalt  }
0x73: {  	_ =	shalt  }
0x74: {  	_ =	shalt  }
0x75: {  	_ =	shalt  }
0x76: {  	_ =	shalt  }
0x77: {  	_ =	shalt  }
0x78: {  	_ =	shalt  }
0x79: {  	_ =	shalt  }
0x7a: {  	_ =	shalt  }
0x7b: {  	_ =	shalt  }
0x7c: {  	_ =	shalt  }
0x7d: {  	_ =	shalt  }
0x7e: {  	_ =	shalt  }
0x7f: {  	_ =	shalt  }
0x80: {  	_ =	shalt  }
0x81: {  	_ =	shalt  }
0x82: {  	_ =	shalt  }
0x83: {  	_ =	shalt  }
0x84: {  	_ =	shalt  }
0x85: {  	_ =	shalt  }
0x86: {  	_ =	shalt  }
0x87: {  	_ =	shalt  }
.Lfunc_end0:
.L_simem_size_0:
called_computation.2_lowered:
.L_overlay_start_0:
0x88: {  	s2 =	sld [smem:$0x3FD9]  }
0x89: {  	s3 =	sld [smem:$0x3FFE];
	_ =	sdelay $0x1  }
0x8a: {  	s1 =	srdreg.scid  }
0x8b: {  	s0 =	sand.u32 $0x1, s1  }
0x8c: {  	s16 =	sshll.u32 s0, $0xA;
	s2 =	sadd.s32 s3, s2  }
0x8d: {  	s2 =	sadd.s32 s2, s16  }
0x8e: {  	[smem:$0x3FBD] =	sst s2  }
0x8f: {  	_ = 	snop  }
0x90: {  	(tm) =	ssettm $0x1  }
0x91: {  	s17 =	sld [smem:$0x3FFB];
	_ =	sdelay $0x3  }
0x92: {  	_ =	strace s17  }
0x93: {  	s2 =	sld [smem:$0x3FFC];
	_ =	sdelay $0x3  }
0x94: {  	_ =	strace s2  }
0x95: {  	s2 =	sld [smem:$0x3FFD];
	_ =	sdelay $0x3  }
0x96: {  	_ =	strace s2  }
0x97: {  	_ =	strace $0x8FFFFFFF  }
0x98: {  	s18 =	sld [smem:$0x3FDB];
	_ =	sdelay $0x1  }
0x99: {  	s19 =	simm.s32 $_scs_section_size  }
0x9a: {  	s4 =	simm.s32 $_size__tile_overlayer_lowered;
	s5 =	simm.s32 $_tile_overlayer_lowered  }
0x9b: {  	s22 =	simm.s32 $0x1BFF;
	s21 =	sshll.u32 s5, $0x1;
	s2 =	sadd.s32 s19, s18  }
0x9c: {  	s6 =	simm.s32 $0x0;
	s20 =	sshll.u32 s4, $0x1;
	s4 =	sadd.s32 s21, s2  }
0x9d: {  	[timem:s6], [sflag:s22] =	dma.local [hbm:s4], s20  }
0x9e: {  	_ =	swait.ge [sflag:s22], s20  }
0x9f: {  	s3 =	ssub.s32 $0x0, s20;
	[sflag:s22] =	ssyncset.done $0x0  }
0xa0: {  	[sflag:s22] =	ssyncadd.s32 s3;
	_ =	sdelay $0x1  }
0xa1: {  	s23 =	simm.s32 $0x1B8B  }
0xa2: {  	_ =	swait.ge [sflag:s23], $0x1  }
0xa3: {  	[sflag:s23] =	ssyncset.done $0x0  }
0xa4: {  	s25 =	simm.s32 $0x1B8E;
	s24 =	sld [smem:$0x3FFE];
	[sflag:s23] =	ssyncadd.s32 $0xFFFFFFFF  }
0xa5: {  	s26 =	simm.s32 $execute0_lowered;
	[smem:$0x3FD2] =	sst s25  }
0xa6: {  	s4 =	sshll.u32 s26, $0x1;
	_ =	strace $0x8000004C;
	[dreg:$0x1] =	wrdreg $0xFFFFFFFF  }
0xa7: {  	s28 =	simm.s32 $_size_execute0_lowered;
	s2 =	sadd.s32 s2, s4;
	[dreg:$0x0] =	wrdreg $0x0  }
0xa8: {  	s4 =	sshll.u32 s28, $0x1;
	[dreg:$0x2] =	wrdreg s2  }
0xa9: {  	[dreg:$0x3] =	wrdreg s4  }
0xaa: {  	[dreg:$0x4] =	wrdreg $0xC0  }
0xab: {  	_ =	task [dreg:s6], $0x5FFFF  }
0xac: {  	[dreg:$0x1] =	wrdreg $0xFFFFFFFF  }
0xad: {  	[dreg:$0x0] =	wrdreg $0x60  }
0xae: {  	[dreg:$0x2] =	wrdreg s24  }
0xaf: {  	[dreg:$0x3] =	wrdreg $0xE0000  }
0xb0: {  	[dreg:$0x4] =	wrdreg $0x9  }
0xb1: {  	_ =	task.clear_ibuf [dreg:s6], $0x5FFFF;
	_ =	strace $0x9000004C  }
0xb2: {  	s29 =	simm.s32 $0x9;
	_ =	strace $0x8000004E  }
0xb3: {  	_ =	swait.ge [sflag:s29], $0x1  }
0xb4: {  	[sflag:s29] =	ssyncadd.s32 $0xFFFFFFFF  }
0xb5: {  	_ =	strace $0x9000004E  }
0xb6: {  	_ =	sfence  }
0xb7: {  	s30 =	sld [smem:$0x0];
	_ =	sdelay $0x2  }
0xb8: {  	s31 =	sshll.u32 s1, $0xD;
	s1 =	sshrl.u32 s1, $0x2  }
0xb9: {  	s3 =	sand.u32 $0x4000, s31;
	s1 =	sadd.s32 s1, s30  }
0xba: {  	s0 =	sor.u32 s3, s0;
	s1 =	sshll.u32 s1, $0x11  }
0xbb: {  	s0 =	sor.u32 s1, s0  }
0xbc: {  	s0 =	sadd.s32 $0x8F2B, s0  }
0xbd: {  	[sflag:s0] =	ssyncadd.remote.s32 $0x1  }
0xbe: {  	_ =	sfence.sel $0xFFFF  }
0xbf: {  	[dreg:$0x0] =	wrdreg $0xFFFFFFFF;
	(pc) =	sbr.abs _section_cstart, $3  }
0xc0: {  	[dreg:$0x1] =	wrdreg $0xFFFFFFFF  }
0xc1: {  	_ =	task.clear_ibuf [dreg:s6], $0x2FFFF;
	_ =	strace $0x9FFFFFFF  }
0xc2: {  	(tm) =	ssettm $0x7FFFFFFF  }
0xc3: {  	_ =	shalt  }
tec
execute0_lowered:
.L_overlay_start_1:
0x0: {  	(tag) =	ssettag $0x1  }
0x1: {  	s5 =	rddreg [dreg:$0x0]  }
0x2: {  	s0 =	srdreg.scid;
	s2 =	rddreg [dreg:$0x1]  }
0x3: {  	s1 =	stileid.u32;
	s3 =	simm.s32 $0x0;
	s12 =	simm.s32 $0x2800  }
0x4: {  	s13 =	simm.s32 $0x80;
	s14 =	simm.s32 $0x5000;
	s15 =	simm.s32 $0x6000  }
0x5: {  	s16 =	simm.s32 $0x7000;
	s17 =	simm.s32 $0x8000;
	s18 =	simm.s32 $0x1  }
0x6: {  	s19 =	simm.s32 $0x2;
	s20 =	simm.s32 $0x3;
	s21 =	simm.s32 $0x4  }
0x7: {  	s4 =	sand.u32 $0x1, s0;
	s0 =	rddreg [dreg:$0x2];
	s7 =	smul.u32 $0x5000, s1  }
0x8: {  	[smem:$0x7FF] =	sst s3;
	s6 =	sshll.u32 s4, $0x4;
	s8 =	smul.u32 $0x50000, s4  }
0x9: {  	_ =	strace $0x8000004D;
	s30 =	ssub.s32 $0x2, s4;
	s6 =	sor.u32 s1, s6  }
0xa: {  	s31 =	sshrl.u32 s30, $0x1;
	s6 =	smul.u32 $0x500, s6;
	s8 =	sadd.s32 s7, s8  }
0xb: {  	s4 =	sadd.s32 $0x3F200, s5;
	s11 =	ssub.s32 s30, s31;
	s29 =	sshrl.u32 s8, $0x3  }
0xc: {  	s9 =	sadd.s32 s6, s5;
	s10 =	sadd.s32 s29, s5;
	s5 =	sadd.s32 s7, s2  }
0xd: {  	s6 =	sadd.s32 $0xD200, s9;
	s7 =	sadd.s32 $0x3200, s9;
	s8 =	sadd.s32 $0x49200, s10  }
0xe: {  	v0 =	vimm.f32 $0.0e+00;
	s9 =	smax.u32 s11, $0x1;
	s10 =	simm.s32 $0x9000;
	s11 =	simm.s32 $0x5  }
.LBB2_1:
0xf: {  	s22 =	simm.s32 $0x80;
	s23 =	simm.s32 $0x0  }
.LBB2_2:
0x10: {  	p0 =	sne.s32 s22, $0x13F80;
	[tilespmem:s23+$0x9000] =	vst v0;
	s24 =	smov.u32 s22;
	s22 =	sadd.s32 $0x80, s22  }
.Ltmp0:
0x11: {  	[tilespmem:s23+$0x9010] =	vst v0;
	(pc) =	sbr.rel @p0 .LBB2_2-.Ltmp0, $2  }
0x12: {  	_ =	sdelay $0x2  }
0x13: {  	s23 =	sshra.s32 s24, $0x2  }
0x14: {  	[tilespmem:s23+$0x9000] =	vst v0  }
0x15: {  	[tilespmem:s23+$0x9010] =	vst v0  }
0x16: {  	[spmem:s5] =	stream.linear.scatter [tilespmem:s10], [sflag:$0x5], $0x5000, $0x38;
	[tilespmem:$0x13000] =	vst v63  }
0x17: {  	_ =	swait.ge [sflag:s11], $0x5000  }
0x18: {  	[sflag:s11] =	ssyncset.done $0x0  }
0x19: {  	[sflag:s11] =	ssyncadd.s32 $0xFFFFB000  }
0x1a: {  	s22 =	simm.s32 $0x0;
	[bflag:$0x0] =	sbarrier.arrive $0xFFFF  }
0x1b: {  	[tilespmem:s22], [sflag:$0x5] =	stream.linear.gather [hbm4b:s6+s22], $0x2800, $0x38;
	[tilespmem:$0x13000] =	vst v63  }
0x1c: {  	_ =	swait.ge [sflag:s11], $0x2800  }
0x1d: {  	[sflag:s11] =	ssyncset.done $0x0  }
0x1e: {  	[sflag:s11] =	ssyncadd.s32 $0xFFFFD800  }
0x1f: {  	[tilespmem:s12], [sflag:$0x5] =	stream.linear.gather [hbm4b:s7+s22], $0x2800, $0x38;
	[tilespmem:$0x13000] =	vst v63  }
0x20: {  	_ =	swait.ge [sflag:s11], $0x2800  }
0x21: {  	[sflag:s11] =	ssyncset.done $0x0  }
0x22: {  	s23 =	simm.s32 $0x0;
	[sflag:s11] =	ssyncadd.s32 $0xFFFFD800  }
0x23: {  	[tilespmem:s14], [sflag:$0x1] =	stream.indirect.gather [hbm4b:s4+s13], $0x20, s23, s13, $0xb8;
	[tilespmem:$0x13000] =	vst v63  }
0x24: {  	s24 =	simm.s32 $0x80  }
0x25: {  	[tilespmem:s15], [sflag:$0x2] =	stream.indirect.gather [hbm4b:s4+s13], $0x20, s24, s13, $0xb8;
	[tilespmem:$0x13000] =	vst v63  }
0x26: {  	s25 =	simm.s32 $0x100  }
0x27: {  	[tilespmem:s16], [sflag:$0x3] =	stream.indirect.gather [hbm4b:s4+s13], $0x20, s25, s13, $0xb8;
	[tilespmem:$0x13000] =	vst v63  }
0x28: {  	s26 =	simm.s32 $0x180  }
0x29: {  	[tilespmem:s17], [sflag:$0x4] =	stream.indirect.gather [hbm4b:s4+s13], $0x20, s26, s13, $0xb8;
	[tilespmem:$0x13000] =	vst v63  }
0x2a: {  	_ =	swait.ge [sflag:s18], $0x1000  }
0x2b: {  	[sflag:s18] =	ssyncset.done $0x0  }
0x2c: {  	s28 =	simm.s32 $0x2800;
	[sflag:s18] =	ssyncadd.s32 $0xFFFFF000  }
0x2d: {  	[spmem:s2] =	stream.indirect.scatter.add.f32 [tilespmem:s14], [sflag:$0x5], $0x20, s28, s13, $0xb8;
	[tilespmem:$0x13000] =	vst v63  }
0x2e: {  	_ =	swait.ge [sflag:s11], $0x1000  }
0x2f: {  	[sflag:s11] =	ssyncset.done $0x0  }
0x30: {  	[sflag:s11] =	ssyncadd.s32 $0xFFFFF000  }
0x31: {  	_ =	swait.ge [sflag:s19], $0x1000  }
0x32: {  	[sflag:s19] =	ssyncset.done $0x0  }
0x33: {  	s29 =	simm.s32 $0x2880;
	[sflag:s19] =	ssyncadd.s32 $0xFFFFF000  }
0x34: {  	[spmem:s2] =	stream.indirect.scatter.add.f32 [tilespmem:s15], [sflag:$0x5], $0x20, s29, s13, $0xb8;
	[tilespmem:$0x13000] =	vst v63  }
0x35: {  	_ =	swait.ge [sflag:s11], $0x1000  }
0x36: {  	[sflag:s11] =	ssyncset.done $0x0  }
0x37: {  	[sflag:s11] =	ssyncadd.s32 $0xFFFFF000  }
0x38: {  	_ =	swait.ge [sflag:s20], $0x1000  }
0x39: {  	[sflag:s20] =	ssyncset.done $0x0  }
0x3a: {  	s30 =	simm.s32 $0x2900;
	[sflag:s20] =	ssyncadd.s32 $0xFFFFF000  }
0x3b: {  	[spmem:s2] =	stream.indirect.scatter.add.f32 [tilespmem:s16], [sflag:$0x5], $0x20, s30, s13, $0xb8;
	[tilespmem:$0x13000] =	vst v63  }
0x3c: {  	_ =	swait.ge [sflag:s11], $0x1000  }
0x3d: {  	[sflag:s11] =	ssyncset.done $0x0  }
0x3e: {  	[sflag:s11] =	ssyncadd.s32 $0xFFFFF000  }
0x3f: {  	_ =	swait.ge [sflag:s21], $0x1000  }
0x40: {  	[sflag:s21] =	ssyncset.done $0x0  }
0x41: {  	s31 =	simm.s32 $0x2980;
	[sflag:s21] =	ssyncadd.s32 $0xFFFFF000  }
0x42: {  	[spmem:s2] =	stream.indirect.scatter.add.f32 [tilespmem:s17], [sflag:$0x5], $0x20, s31, s13, $0xb8;
	[tilespmem:$0x13000] =	vst v63  }
0x43: {  	_ =	swait.ge [sflag:s11], $0x1000  }
0x44: {  	s22 =	simm.s32 $0x800;
	s25 =	simm.s32 $0x1000;
	[sflag:s11] =	ssyncset.done $0x0  }
.LBB2_4:
0x45: {  	s24 =	sshra.s32 s22, $0x2  }
0x46: {  	[sflag:s11] =	ssyncadd.s32 $0xFFFFF000;
	s22 =	smov.u32 s25;
	s23 =	sadd.s32 $0x800, s25  }
0x47: {  	[tilespmem:s14], [sflag:$0x1] =	stream.indirect.gather [hbm4b:s4+s13], $0x20, s24, s13, $0xb8;
	[tilespmem:$0x13000] =	vst v63  }
0x48: {  	p0 =	sne.s32 s25, $0x9800;
	s25 =	sadd.s32 $0x80, s24  }
0x49: {  	[tilespmem:s15], [sflag:$0x2] =	stream.indirect.gather [hbm4b:s4+s13], $0x20, s25, s13, $0xb8;
	[tilespmem:$0x13000] =	vst v63  }
0x4a: {  	s25 =	sadd.s32 $0x100, s24  }
0x4b: {  	[tilespmem:s16], [sflag:$0x3] =	stream.indirect.gather [hbm4b:s4+s13], $0x20, s25, s13, $0xb8;
	[tilespmem:$0x13000] =	vst v63  }
0x4c: {  	s25 =	sadd.s32 $0x180, s24  }
0x4d: {  	[tilespmem:s17], [sflag:$0x4] =	stream.indirect.gather [hbm4b:s4+s13], $0x20, s25, s13, $0xb8;
	[tilespmem:$0x13000] =	vst v63  }
0x4e: {  	_ =	swait.ge [sflag:s18], $0x1000  }
0x4f: {  	[sflag:s18] =	ssyncset.done $0x0  }
0x50: {  	s25 =	sadd.s32 $0x2800, s24;
	[sflag:s18] =	ssyncadd.s32 $0xFFFFF000  }
0x51: {  	[spmem:s2] =	stream.indirect.scatter.add.f32 [tilespmem:s14], [sflag:$0x5], $0x20, s25, s13, $0xb8;
	[tilespmem:$0x13000] =	vst v63  }
0x52: {  	_ =	swait.ge [sflag:s11], $0x1000  }
0x53: {  	[sflag:s11] =	ssyncset.done $0x0  }
0x54: {  	[sflag:s11] =	ssyncadd.s32 $0xFFFFF000  }
0x55: {  	_ =	swait.ge [sflag:s19], $0x1000  }
0x56: {  	[sflag:s19] =	ssyncset.done $0x0  }
0x57: {  	s25 =	sadd.s32 $0x2880, s24;
	[sflag:s19] =	ssyncadd.s32 $0xFFFFF000  }
0x58: {  	[spmem:s2] =	stream.indirect.scatter.add.f32 [tilespmem:s15], [sflag:$0x5], $0x20, s25, s13, $0xb8;
	[tilespmem:$0x13000] =	vst v63  }
0x59: {  	_ =	swait.ge [sflag:s11], $0x1000  }
0x5a: {  	[sflag:s11] =	ssyncset.done $0x0  }
0x5b: {  	[sflag:s11] =	ssyncadd.s32 $0xFFFFF000  }
0x5c: {  	_ =	swait.ge [sflag:s20], $0x1000  }
0x5d: {  	[sflag:s20] =	ssyncset.done $0x0  }
0x5e: {  	s25 =	sadd.s32 $0x2900, s24;
	[sflag:s20] =	ssyncadd.s32 $0xFFFFF000  }
0x5f: {  	[spmem:s2] =	stream.indirect.scatter.add.f32 [tilespmem:s16], [sflag:$0x5], $0x20, s25, s13, $0xb8;
	[tilespmem:$0x13000] =	vst v63  }
0x60: {  	_ =	swait.ge [sflag:s11], $0x1000  }
0x61: {  	[sflag:s11] =	ssyncset.done $0x0  }
0x62: {  	[sflag:s11] =	ssyncadd.s32 $0xFFFFF000  }
0x63: {  	_ =	swait.ge [sflag:s21], $0x1000  }
.Ltmp1:
0x64: {  	[sflag:s21] =	ssyncset.done $0x0;
	(pc) =	sbr.rel @p0 .LBB2_4-.Ltmp1, $4  }
0x65: {  	s24 =	sadd.s32 $0x2980, s24;
	[sflag:s21] =	ssyncadd.s32 $0xFFFFF000  }
0x66: {  	[spmem:s2] =	stream.indirect.scatter.add.f32 [tilespmem:s17], [sflag:$0x5], $0x20, s24, s13, $0xb8;
	[tilespmem:$0x13000] =	vst v63  }
0x67: {  	_ =	swait.ge [sflag:s11], $0x1000  }
0x68: {  	s25 =	smov.u32 s23;
	[sflag:s11] =	ssyncset.done $0x0  }
0x69: {  	s22 =	sshra.s32 s22, $0x2;
	[sflag:s11] =	ssyncadd.s32 $0xFFFFF000  }
0x6a: {  	[tilespmem:s14], [sflag:$0x1] =	stream.indirect.gather [hbm4b:s4+s13], $0x20, s22, s13, $0xb8;
	[tilespmem:$0x13000] =	vst v63  }
0x6b: {  	s23 =	sadd.s32 $0x80, s22  }
0x6c: {  	[tilespmem:s15], [sflag:$0x2] =	stream.indirect.gather [hbm4b:s4+s13], $0x20, s23, s13, $0xb8;
	[tilespmem:$0x13000] =	vst v63  }
0x6d: {  	s24 =	sadd.s32 $0x100, s22  }
0x6e: {  	[tilespmem:s16], [sflag:$0x3] =	stream.indirect.gather [hbm4b:s4+s13], $0x20, s24, s13, $0xb8;
	[tilespmem:$0x13000] =	vst v63  }
0x6f: {  	s25 =	sadd.s32 $0x180, s22  }
0x70: {  	[tilespmem:s17], [sflag:$0x4] =	stream.indirect.gather [hbm4b:s4+s13], $0x20, s25, s13, $0xb8;
	[tilespmem:$0x13000] =	vst v63  }
0x71: {  	_ =	swait.ge [sflag:s18], $0x1000  }
0x72: {  	[sflag:s18] =	ssyncset.done $0x0  }
0x73: {  	s26 =	sadd.s32 $0x2800, s22;
	[sflag:s18] =	ssyncadd.s32 $0xFFFFF000  }
0x74: {  	[spmem:s2] =	stream.indirect.scatter.add.f32 [tilespmem:s14], [sflag:$0x5], $0x20, s26, s13, $0xb8;
	[tilespmem:$0x13000] =	vst v63  }
0x75: {  	_ =	swait.ge [sflag:s11], $0x1000  }
0x76: {  	[sflag:s11] =	ssyncset.done $0x0  }
0x77: {  	[sflag:s11] =	ssyncadd.s32 $0xFFFFF000  }
0x78: {  	_ =	swait.ge [sflag:s19], $0x1000  }
0x79: {  	[sflag:s19] =	ssyncset.done $0x0  }
0x7a: {  	s28 =	sadd.s32 $0x2880, s22;
	[sflag:s19] =	ssyncadd.s32 $0xFFFFF000  }
0x7b: {  	[spmem:s2] =	stream.indirect.scatter.add.f32 [tilespmem:s15], [sflag:$0x5], $0x20, s28, s13, $0xb8;
	[tilespmem:$0x13000] =	vst v63  }
0x7c: {  	_ =	swait.ge [sflag:s11], $0x1000  }
0x7d: {  	[sflag:s11] =	ssyncset.done $0x0  }
0x7e: {  	[sflag:s11] =	ssyncadd.s32 $0xFFFFF000  }
0x7f: {  	_ =	swait.ge [sflag:s20], $0x1000  }
0x80: {  	[sflag:s20] =	ssyncset.done $0x0  }
0x81: {  	s29 =	sadd.s32 $0x2900, s22;
	[sflag:s20] =	ssyncadd.s32 $0xFFFFF000  }
0x82: {  	[spmem:s2] =	stream.indirect.scatter.add.f32 [tilespmem:s16], [sflag:$0x5], $0x20, s29, s13, $0xb8;
	[tilespmem:$0x13000] =	vst v63  }
0x83: {  	_ =	swait.ge [sflag:s11], $0x1000  }
0x84: {  	[sflag:s11] =	ssyncset.done $0x0  }
0x85: {  	[sflag:s11] =	ssyncadd.s32 $0xFFFFF000  }
0x86: {  	_ =	swait.ge [sflag:s21], $0x1000  }
0x87: {  	[sflag:s21] =	ssyncset.done $0x0  }
0x88: {  	s22 =	sadd.s32 $0x2980, s22;
	[sflag:s21] =	ssyncadd.s32 $0xFFFFF000  }
0x89: {  	[spmem:s2] =	stream.indirect.scatter.add.f32 [tilespmem:s17], [sflag:$0x5], $0x20, s22, s13, $0xb8;
	[tilespmem:$0x13000] =	vst v63  }
0x8a: {  	_ =	swait.ge [sflag:s11], $0x1000  }
0x8b: {  	s30 =	sshll.u32 s1, $0x6;
	s3 =	sadd.s32 $0x1, s3;
	[sflag:s11] =	ssyncset.done $0x0  }
0x8c: {  	s31 =	sshrl.u32 s5, $0x3;
	p0 =	sne.s32 s3, s9;
	[sflag:s11] =	ssyncadd.s32 $0xFFFFF000  }
.Ltmp2:
0x8d: {  	s22 =	sor.u32 $0x1C05, s30;
	[bflag:$0x0] =	sbarrier.arrive $0xFFFF;
	(pc) =	sbr.rel @p0 .LBB2_1-.Ltmp2, $4  }
0x8e: {  	[hbm:s8], [sflag:s22] =	dma.local [spmem:s31], $0xA00  }
0x8f: {  	_ =	swait.ge [sflag:s11], $0xA00  }
0x90: {  	[sflag:s11] =	ssyncset.done $0x0  }
0x91: {  	[sflag:s11] =	ssyncadd.s32 $0xFFFFF600  }
0x92: {  	_ =	sfence.sel $0x180000  }
0x93: {  	[bflag:$0x0] =	sbarrier.arrive $0xFFFF  }
0x94: {  	p0 =	sne.s32 s1, $0x0;
	_ =	strace $0x9000004D  }
0x95: {  	s0 =	sadd.s32 @!p0 $0x100000, s0;
	[bflag:$0x2] =	sbarrier.arrive $0xFFFF  }
0x96: {  	[sflag:s0] =	ssyncadd.tile.s32 @!p0 $0x1;
	_ =	shalt  }
.Lfunc_end2:
_tile_overlayer_lowered:
.L_overlay_start_2:
0x97: {  	(tag) =	ssettag $0x2  }
0x98: {  	s0 =	rddreg [dreg:$0x0];
	s2 =	stileid.u32  }
0x99: {  	s1 =	rddreg [dreg:$0x1];
	p0 =	sne.s32 s2, $0x0  }
0x9a: {  	s3 =	rddreg [dreg:$0x2];
	[bflag:$0x3] =	sbarrier.arrive $0xFFFF;
	s2 =	simm.s32 @!p0 $0x1C05  }
0x9b: {  	[timem:s3], [sflag:s2] =	dma.local @!p0 [hbm:s0], s1  }
0x9c: {  	s0 =	simm.s32 @!p0 $0x5  }
0x9d: {  	_ =	swait.ge @!p0 [sflag:s0], s1  }
0x9e: {  	s1 =	ssub.s32 @!p0 $0x0, s1;
	[sflag:s0] =	ssyncset.done @!p0 $0x0  }
0x9f: {  	[sflag:s0] =	ssyncadd.s32 @!p0 s1  }
0xa0: {  	[bflag:$0x3] =	sbarrier.arrive $0xFFFF  }
0xa1: {  	_ =	shalt  }

// kernel: kernel.20.cloned.1.call-start
scs
__scs_entry_jumppad:
0x0: {  	(pc) =	sbr.rel $0x88, $3  }
0x1: {  	(tag) =	ssettag $0x0;
	lr =	simm.s32 $0x1  }
0x2: {  	[smem:$0x3F96] =	sst lr;
	_ =	strace $0xD0000000  }
0x3: {  	_ = 	snop  }
0x4: {  	_ = 	snop  }
0x5: {  	_ = 	snop  }
0x6: {  	_ = 	snop  }
0x7: {  	_ = 	snop  }
__scs_overlays_trampoline_lowered:
0x8: {  	[smem:$0x3FA5] =	sst s0  }
0x9: {  	[smem:$0x3FA6] =	sst s1  }
0xa: {  	[smem:$0x3FA7] =	sst s2  }
0xb: {  	[smem:$0x3FA8] =	sst s3  }
0xc: {  	[smem:$0x3FA9] =	sst s4  }
0xd: {  	[smem:$0x3FAA] =	sst s5  }
0xe: {  	[smem:$0x3FAB] =	sst s6  }
0xf: {  	[smem:$0x3FAC] =	sst s7  }
0x10: {  	[smem:$0x3FAD] =	sst s8  }
0x11: {  	[smem:$0x3FAE] =	sst s9;
	s0 =	simm.s32 @!p0 $0x0  }
0x12: {  	s1 =	sld [smem:$0x3F94];
	s0 =	simm.s32 @p0 $0x1  }
0x13: {  	[smem:$0x3FAF] =	sst s0;
	s0 =	simm.s32 @!p1 $0x0  }
0x14: {  	s2 =	sld [smem:$0x3F93];
	s0 =	simm.s32 @p1 $0x1  }
0x15: {  	[smem:$0x3FB0] =	sst s0;
	s0 =	simm.s32 @!p2 $0x0  }
0x16: {  	s3 =	sld [smem:$0x3FDB];
	s0 =	simm.s32 @p2 $0x1  }
0x17: {  	s4 =	simm.s32 $0x1BF5;
	[smem:$0x3FB2] =	sst s0  }
0x18: {  	s0 =	sld [smem:$0x3F95];
	_ =	swait.ge [sflag:s4], $0x0  }
0x19: {  	s7 =	sld [smem:$0x3F96]  }
0x1a: {  	s8 =	sadd.s32 $0xFFFFE003, lr  }
0x1b: {  	s9 =	sadd.s32 $0xFFFFFEF7, lr;
	s5 =	simm.s32 $0xFFFFFFFF;
	p2 =	slt.u32 s8, $0xFFFFF086  }
0x1c: {  	p1 =	slt.u32 s9, $0xF7A;
	s5 =	simm.s32 @!p2 $0x0  }
0x1d: {  	s5 =	simm.s32 @p1 $0x1;
	p0 =	seq.s32 s7, s2  }
0x1e: {  	s7 =	smul.u32 @!p0 $0xF7A, s2;
	p2 =	seq.s32 @!p0 s5, $0x0  }
0x1f: {  	s9 =	smul.u32 $0xF7A, s1;
	s8 =	simm.s32 @!p0 $0x1BF5;
	p2 =	por !p2, p0  }
0x20: {  	[sflag:s8] =	ssyncset.s32 @!p0 $0xFFFFF086;
	s6 =	sadd.s32 @!p0 s3, s7;
	s7 =	simm.s32 @!p0 $0x108  }
0x21: {  	s3 =	sadd.s32 s3, s9;
	s6 =	sadd.s32 @!p0 $0x88, s6;
	s7 =	simm.s32 @p2 $0x1082  }
0x22: {  	[simem:s7], [sflag:s8] =	dma.local @!p0 [hbm:s6], $0xF7A  }
0x23: {  	s9 =	sor.u32 $0xD0000000, s2;
	s6 =	simm.s32 $0x108;
	_ =	swait.ge @!p0 [sflag:s8], $0x0  }
0x24: {  	s3 =	sadd.s32 $0x88, s3;
	s6 =	simm.s32 @!p1 $0x1082;
	[sflag:s4] =	ssyncset.s32 $0xFFFFF086  }
0x25: {  	[simem:s6], [sflag:s4] =	dma.local [hbm:s3], $0xF7A  }
0x26: {  	[smem:$0x3F96] =	sst s1;
	(tag) =	ssettag s2;
	_ =	strace s9  }
0x27: {  	s1 =	sld [smem:$0x3FA6]  }
0x28: {  	s2 =	sld [smem:$0x3FA7]  }
0x29: {  	s4 =	sld [smem:$0x3FA9]  }
0x2a: {  	p0 =	seq.s32 s5, $0x0;
	s5 =	sld [smem:$0x3FAA]  }
0x2b: {  	s6 =	sld [smem:$0x3FAB]  }
0x2c: {  	s7 =	sld [smem:$0x3FAC]  }
0x2d: {  	s3 =	simm.s32 $0x108;
	s8 =	sld [smem:$0x3FAD]  }
0x2e: {  	s3 =	simm.s32 @!p0 $0x1082;
	s9 =	sld [smem:$0x3FAE]  }
0x2f: {  	lr =	sadd.s32 s0, s3;
	s0 =	sld [smem:$0x3FA5]  }
0x30: {  	s3 =	sld [smem:$0x3FA8]  }
0x31: {  	[smem:$0x3FB1] =	sst s10  }
0x32: {  	s10 =	sld [smem:$0x3FAF];
	_ =	sdelay $0x3  }
0x33: {  	p0 =	seq.s32 s10, $0x1;
	s10 =	sld [smem:$0x3FB1];
	_ =	sdelay $0x3  }
0x34: {  	[smem:$0x3FB1] =	sst s10  }
0x35: {  	s10 =	sld [smem:$0x3FB0];
	_ =	sdelay $0x3  }
0x36: {  	p1 =	seq.s32 s10, $0x1;
	s10 =	sld [smem:$0x3FB1];
	_ =	sdelay $0x3  }
0x37: {  	[smem:$0x3FB1] =	sst s10  }
0x38: {  	s10 =	sld [smem:$0x3FB2]  }
0x39: {  	_ = 	snop;
	(pc) =	sbr.ind lr, $3  }
0x3a: {  	_ = 	snop  }
0x3b: {  	_ = 	snop  }
0x3c: {  	p2 =	seq.s32 s10, $0x1;
	s10 =	sld [smem:$0x3FB1]  }
0x3d: {  	_ =	shalt  }
0x3e: {  	_ =	shalt  }
0x3f: {  	_ =	shalt  }
0x40: {  	_ =	shalt  }
0x41: {  	_ =	shalt  }
0x42: {  	_ =	shalt  }
0x43: {  	_ =	shalt  }
0x44: {  	_ =	shalt  }
0x45: {  	_ =	shalt  }
0x46: {  	_ =	shalt  }
0x47: {  	_ =	shalt  }
0x48: {  	_ =	shalt  }
0x49: {  	_ =	shalt  }
0x4a: {  	_ =	shalt  }
0x4b: {  	_ =	shalt  }
0x4c: {  	_ =	shalt  }
0x4d: {  	_ =	shalt  }
0x4e: {  	_ =	shalt  }
0x4f: {  	_ =	shalt  }
0x50: {  	_ =	shalt  }
0x51: {  	_ =	shalt  }
0x52: {  	_ =	shalt  }
0x53: {  	_ =	shalt  }
0x54: {  	_ =	shalt  }
0x55: {  	_ =	shalt  }
0x56: {  	_ =	shalt  }
0x57: {  	_ =	shalt  }
0x58: {  	_ =	shalt  }
0x59: {  	_ =	shalt  }
0x5a: {  	_ =	shalt  }
0x5b: {  	_ =	shalt  }
0x5c: {  	_ =	shalt  }
0x5d: {  	_ =	shalt  }
0x5e: {  	_ =	shalt  }
0x5f: {  	_ =	shalt  }
0x60: {  	_ =	shalt  }
0x61: {  	_ =	shalt  }
0x62: {  	_ =	shalt  }
0x63: {  	_ =	shalt  }
0x64: {  	_ =	shalt  }
0x65: {  	_ =	shalt  }
0x66: {  	_ =	shalt  }
0x67: {  	_ =	shalt  }
0x68: {  	_ =	shalt  }
0x69: {  	_ =	shalt  }
0x6a: {  	_ =	shalt  }
0x6b: {  	_ =	shalt  }
0x6c: {  	_ =	shalt  }
0x6d: {  	_ =	shalt  }
0x6e: {  	_ =	shalt  }
0x6f: {  	_ =	shalt  }
0x70: {  	_ =	shalt  }
0x71: {  	_ =	shalt  }
0x72: {  	_ =	shalt  }
0x73: {  	_ =	shalt  }
0x74: {  	_ =	shalt  }
0x75: {  	_ =	shalt  }
0x76: {  	_ =	shalt  }
0x77: {  	_ =	shalt  }
0x78: {  	_ =	shalt  }
0x79: {  	_ =	shalt  }
0x7a: {  	_ =	shalt  }
0x7b: {  	_ =	shalt  }
0x7c: {  	_ =	shalt  }
0x7d: {  	_ =	shalt  }
0x7e: {  	_ =	shalt  }
0x7f: {  	_ =	shalt  }
0x80: {  	_ =	shalt  }
0x81: {  	_ =	shalt  }
0x82: {  	_ =	shalt  }
0x83: {  	_ =	shalt  }
0x84: {  	_ =	shalt  }
0x85: {  	_ =	shalt  }
0x86: {  	_ =	shalt  }
0x87: {  	_ =	shalt  }
.Lfunc_end0:
.L_simem_size_0:
called_computation.3_lowered:
.L_overlay_start_0:
0x88: {  	s2 =	sld [smem:$0x3FD9]  }
0x89: {  	s3 =	sld [smem:$0x3FFE];
	_ =	sdelay $0x1  }
0x8a: {  	s1 =	srdreg.scid  }
0x8b: {  	s0 =	sand.u32 $0x1, s1  }
0x8c: {  	s16 =	sshll.u32 s0, $0xA;
	s2 =	sadd.s32 s3, s2  }
0x8d: {  	s2 =	sadd.s32 s2, s16  }
0x8e: {  	[smem:$0x3FBD] =	sst s2  }
0x8f: {  	_ = 	snop  }
0x90: {  	(tm) =	ssettm $0x1  }
0x91: {  	s17 =	sld [smem:$0x3FFB];
	_ =	sdelay $0x3  }
0x92: {  	_ =	strace s17  }
0x93: {  	s2 =	sld [smem:$0x3FFC];
	_ =	sdelay $0x3  }
0x94: {  	_ =	strace s2  }
0x95: {  	s2 =	sld [smem:$0x3FFD];
	_ =	sdelay $0x3  }
0x96: {  	_ =	strace s2  }
0x97: {  	_ =	strace $0x8FFFFFFF  }
0x98: {  	s18 =	sld [smem:$0x3FDB];
	_ =	sdelay $0x1  }
0x99: {  	s19 =	simm.s32 $_scs_section_size  }
0x9a: {  	s4 =	simm.s32 $_size__tile_overlayer_lowered;
	s5 =	simm.s32 $_tile_overlayer_lowered  }
0x9b: {  	s22 =	simm.s32 $0x1BFF;
	s21 =	sshll.u32 s5, $0x1;
	s2 =	sadd.s32 s19, s18  }
0x9c: {  	s6 =	simm.s32 $0x0;
	s20 =	sshll.u32 s4, $0x1;
	s4 =	sadd.s32 s21, s2  }
0x9d: {  	[timem:s6], [sflag:s22] =	dma.local [hbm:s4], s20  }
0x9e: {  	_ =	swait.ge [sflag:s22], s20  }
0x9f: {  	s3 =	ssub.s32 $0x0, s20;
	[sflag:s22] =	ssyncset.done $0x0  }
0xa0: {  	[sflag:s22] =	ssyncadd.s32 s3;
	_ =	sdelay $0x1  }
0xa1: {  	s23 =	simm.s32 $0x1B8B  }
0xa2: {  	_ =	swait.ge [sflag:s23], $0x1  }
0xa3: {  	[sflag:s23] =	ssyncset.done $0x0  }
0xa4: {  	s25 =	simm.s32 $0x1B8E;
	s24 =	sld [smem:$0x3FFE];
	[sflag:s23] =	ssyncadd.s32 $0xFFFFFFFF  }
0xa5: {  	s26 =	simm.s32 $execute0_lowered;
	[smem:$0x3FD2] =	sst s25  }
0xa6: {  	s4 =	sshll.u32 s26, $0x1;
	_ =	strace $0x8000004F;
	[dreg:$0x1] =	wrdreg $0xFFFFFFFF  }
0xa7: {  	s28 =	simm.s32 $_size_execute0_lowered;
	s2 =	sadd.s32 s2, s4;
	[dreg:$0x0] =	wrdreg $0x0  }
0xa8: {  	s4 =	sshll.u32 s28, $0x1;
	[dreg:$0x2] =	wrdreg s2  }
0xa9: {  	[dreg:$0x3] =	wrdreg s4  }
0xaa: {  	[dreg:$0x4] =	wrdreg $0xC0  }
0xab: {  	_ =	task [dreg:s6], $0x5FFFF  }
0xac: {  	[dreg:$0x1] =	wrdreg $0xFFFFFFFF  }
0xad: {  	[dreg:$0x0] =	wrdreg $0x60  }
0xae: {  	[dreg:$0x2] =	wrdreg s24  }
0xaf: {  	[dreg:$0x3] =	wrdreg $0x9  }
0xb0: {  	_ =	task.clear_ibuf [dreg:s6], $0x4FFFF;
	_ =	strace $0x9000004F  }
0xb1: {  	s29 =	simm.s32 $0x9;
	_ =	strace $0x80000051  }
0xb2: {  	_ =	swait.ge [sflag:s29], $0x1  }
0xb3: {  	[sflag:s29] =	ssyncadd.s32 $0xFFFFFFFF  }
0xb4: {  	_ =	strace $0x90000051  }
0xb5: {  	_ =	sfence  }
0xb6: {  	s30 =	sld [smem:$0x0];
	_ =	sdelay $0x2  }
0xb7: {  	s31 =	sshll.u32 s1, $0xD;
	s1 =	sshrl.u32 s1, $0x2  }
0xb8: {  	s3 =	sand.u32 $0x4000, s31;
	s1 =	sadd.s32 s1, s30  }
0xb9: {  	s0 =	sor.u32 s3, s0;
	s1 =	sshll.u32 s1, $0x11  }
0xba: {  	s0 =	sor.u32 s1, s0  }
0xbb: {  	s0 =	sadd.s32 $0x8F2B, s0  }
0xbc: {  	[sflag:s0] =	ssyncadd.remote.s32 $0x1  }
0xbd: {  	_ =	sfence.sel $0xFFFF  }
0xbe: {  	[dreg:$0x0] =	wrdreg $0xFFFFFFFF;
	(pc) =	sbr.abs _section_cstart, $3  }
0xbf: {  	[dreg:$0x1] =	wrdreg $0xFFFFFFFF  }
0xc0: {  	_ =	task.clear_ibuf [dreg:s6], $0x2FFFF;
	_ =	strace $0x9FFFFFFF  }
0xc1: {  	(tm) =	ssettm $0x7FFFFFFF  }
tec
execute0_lowered:
.L_overlay_start_1:
0x0: {  	(tag) =	ssettag $0x1  }
0x1: {  	s0 =	srdreg.scid;
	s4 =	rddreg [dreg:$0x0]  }
0x2: {  	s1 =	stileid.u32;
	s2 =	simm.s32 $0x0;
	s11 =	simm.s32 $0x5000  }
0x3: {  	s12 =	simm.s32 $0x6800;
	s13 =	simm.s32 $0x1;
	s14 =	simm.s32 $0x2  }
0x4: {  	s15 =	simm.s32 $0x0;
	s3 =	sand.u32 $0x1, s0;
	s0 =	rddreg [dreg:$0x1]  }
0x5: {  	[smem:$0x7FF] =	sst s2;
	s9 =	smul.u32 $0xF000, s1;
	s5 =	sshll.u32 s3, $0x4  }
0x6: {  	_ =	strace $0x80000050;
	s6 =	smul.u32 $0xF0000, s3;
	s7 =	ssub.s32 $0x2, s3  }
0x7: {  	s3 =	sadd.s32 $0x17200, s4;
	s5 =	sor.u32 s1, s5;
	s8 =	sshrl.u32 s7, $0x1  }
0x8: {  	s5 =	smul.u32 $0x500, s5;
	s10 =	sadd.s32 s6, s4;
	s30 =	ssub.s32 s7, s8  }
0x9: {  	s6 =	smax.u32 s30, $0x1;
	s31 =	sadd.s32 s9, s10;
	s9 =	simm.s32 $0x3  }
0xa: {  	s10 =	simm.s32 $0x80;
	s5 =	sadd.s32 s5, s4;
	s7 =	sadd.s32 $0x206200, s31  }
0xb: {  	s8 =	sadd.s32 $0x26200, s31;
	s4 =	sadd.s32 $0xD200, s5;
	s5 =	sadd.s32 $0x3200, s5  }
.LBB2_1:
0xc: {  	[tilespmem:s2], [sflag:$0x3] =	stream.linear.gather [hbm4b:s4+s2], $0x2800, $0x38;
	[tilespmem:$0x8000] =	vst v63  }
0xd: {  	_ =	swait.ge [sflag:s9], $0x2800  }
0xe: {  	[sflag:s9] =	ssyncset.done $0x0  }
0xf: {  	s16 =	simm.s32 $0x2800;
	[sflag:s9] =	ssyncadd.s32 $0xFFFFD800  }
0x10: {  	[tilespmem:s16], [sflag:$0x3] =	stream.linear.gather [hbm4b:s5+s2], $0x2800, $0x38;
	[tilespmem:$0x8000] =	vst v63  }
0x11: {  	_ =	swait.ge [sflag:s9], $0x2800  }
0x12: {  	[sflag:s9] =	ssyncset.done $0x0  }
0x13: {  	[sflag:s9] =	ssyncadd.s32 $0xFFFFD800  }
0x14: {  	[tilespmem:s11], [sflag:$0x1] =	stream.indirect.gather [hbm4b:s3+s10], $0x30, s2, s10, $0xb8;
	[tilespmem:$0x8000] =	vst v63  }
0x15: {  	_ = 	snop  }
0x16: {  	[tilespmem:s12], [sflag:$0x2] =	stream.indirect.gather [hbm4b:s3+s10], $0x30, s16, s10, $0xb8;
	[tilespmem:$0x8000] =	vst v63  }
0x17: {  	_ =	swait.ge [sflag:s13], $0x1800  }
0x18: {  	[sflag:s13] =	ssyncset.done $0x0  }
0x19: {  	[sflag:s13] =	ssyncadd.s32 $0xFFFFE800  }
0x1a: {  	_ =	swait.ge [sflag:s14], $0x1800  }
0x1b: {  	[sflag:s14] =	ssyncset.done $0x0  }
0x1c: {  	s17 =	sadd.s32 $0x0, s7;
	[sflag:s14] =	ssyncadd.s32 $0xFFFFE800  }
0x1d: {  	[hbm4b:s17+s2] =	stream.linear.scatter [tilespmem:s11], [sflag:$0x3], $0x1800, $0x38;
	[tilespmem:$0x8000] =	vst v63  }
0x1e: {  	_ =	swait.ge [sflag:s9], $0x1800  }
0x1f: {  	[sflag:s9] =	ssyncset.done $0x0  }
0x20: {  	s31 =	sadd.s32 $0x0, s8;
	[sflag:s9] =	ssyncadd.s32 $0xFFFFE800  }
0x21: {  	[hbm4b:s31+s2] =	stream.linear.scatter [tilespmem:s12], [sflag:$0x3], $0x1800, $0x38;
	[tilespmem:$0x8000] =	vst v63  }
0x22: {  	_ =	swait.ge [sflag:s9], $0x1800  }
0x23: {  	s18 =	simm.s32 $0x0;
	s17 =	simm.s32 $0x300;
	[sflag:s9] =	ssyncset.done $0x0  }
.LBB2_2:
0x24: {  	[sflag:s9] =	ssyncadd.s32 $0xFFFFE800;
	s18 =	sadd.s32 $0x80, s18;
	s16 =	sadd.s32 $0x80, s16  }
0x25: {  	[tilespmem:s11], [sflag:$0x1] =	stream.indirect.gather [hbm4b:s3+s10], $0x30, s18, s10, $0xb8;
	[tilespmem:$0x8000] =	vst v63  }
0x26: {  	p0 =	sne.s32 s17, $0xED00;
	s19 =	smov.u32 s17;
	s17 =	sadd.s32 $0x300, s17  }
0x27: {  	[tilespmem:s12], [sflag:$0x2] =	stream.indirect.gather [hbm4b:s3+s10], $0x30, s16, s10, $0xb8;
	[tilespmem:$0x8000] =	vst v63  }
0x28: {  	_ =	swait.ge [sflag:s13], $0x1800  }
0x29: {  	[sflag:s13] =	ssyncset.done $0x0  }
0x2a: {  	[sflag:s13] =	ssyncadd.s32 $0xFFFFE800  }
0x2b: {  	_ =	swait.ge [sflag:s14], $0x1800  }
0x2c: {  	[sflag:s14] =	ssyncset.done $0x0  }
0x2d: {  	s20 =	sadd.s32 s19, s7;
	[sflag:s14] =	ssyncadd.s32 $0xFFFFE800  }
0x2e: {  	[hbm4b:s20+s2] =	stream.linear.scatter [tilespmem:s11], [sflag:$0x3], $0x1800, $0x38;
	[tilespmem:$0x8000] =	vst v63  }
0x2f: {  	_ =	swait.ge [sflag:s9], $0x1800  }
.Ltmp0:
0x30: {  	[sflag:s9] =	ssyncset.done $0x0;
	(pc) =	sbr.rel @p0 .LBB2_2-.Ltmp0, $4  }
0x31: {  	s19 =	sadd.s32 s19, s8;
	[sflag:s9] =	ssyncadd.s32 $0xFFFFE800  }
0x32: {  	[hbm4b:s19+s2] =	stream.linear.scatter [tilespmem:s12], [sflag:$0x3], $0x1800, $0x38;
	[tilespmem:$0x8000] =	vst v63  }
0x33: {  	_ =	swait.ge [sflag:s9], $0x1800  }
0x34: {  	[sflag:s9] =	ssyncset.done $0x0  }
0x35: {  	s15 =	sadd.s32 $0x1, s15  }
0x36: {  	p0 =	sne.s32 s15, s6  }
.Ltmp1:
0x37: {  	_ = 	snop;
	(pc) =	sbr.rel @p0 .LBB2_1-.Ltmp1, $2  }
0x38: {  	_ =	sdelay $0x2  }
0x39: {  	[sflag:s9] =	ssyncadd.s32 $0xFFFFE800  }
0x3a: {  	_ =	sfence.sel $0x180000  }
0x3b: {  	[bflag:$0x0] =	sbarrier.arrive $0xFFFF  }
0x3c: {  	p0 =	sne.s32 s1, $0x0;
	_ =	strace $0x90000050  }
0x3d: {  	s0 =	sadd.s32 @!p0 $0x100000, s0;
	[bflag:$0x2] =	sbarrier.arrive $0xFFFF  }
0x3e: {  	[sflag:s0] =	ssyncadd.tile.s32 @!p0 $0x1;
	_ =	shalt  }
.Lfunc_end2:
_tile_overlayer_lowered:
.L_overlay_start_2:
0x3f: {  	(tag) =	ssettag $0x2  }
0x40: {  	s0 =	rddreg [dreg:$0x0];
	s2 =	stileid.u32  }
0x41: {  	s1 =	rddreg [dreg:$0x1];
	p0 =	sne.s32 s2, $0x0  }
0x42: {  	s3 =	rddreg [dreg:$0x2];
	[bflag:$0x3] =	sbarrier.arrive $0xFFFF;
	s2 =	simm.s32 @!p0 $0x1C03  }
0x43: {  	[timem:s3], [sflag:s2] =	dma.local @!p0 [hbm:s0], s1  }
0x44: {  	s0 =	simm.s32 @!p0 $0x3  }
0x45: {  	_ =	swait.ge @!p0 [sflag:s0], s1  }
0x46: {  	s1 =	ssub.s32 @!p0 $0x0, s1;
	[sflag:s0] =	ssyncset.done @!p0 $0x0  }
0x47: {  	[sflag:s0] =	ssyncadd.s32 @!p0 s1  }
0x48: {  	[bflag:$0x3] =	sbarrier.arrive $0xFFFF  }
0x49: {  	_ =	shalt  }

</sc_bundles>
